<compile_context>
chip_gen: v7x
topology: tpu7x:2x2x1
jax: 0.10.2.dev20260603
libtpu: 0.0.44.dev20260713+nightly
codegen_flags: <defaults>
</compile_context>

<pallas_src>
import math

import numpy as np
import jax
import jax.numpy as jnp
from jax.experimental import pallas as pl
from jax.experimental.pallas import tpu as pltpu

_B, _S, _D, _H, _E, _K, _TE, _STEPS = 1, 2048, 1024, 2048, 8, 2, 64, 4
_T = 256
_G = 23
_P = _G * _T
_DT = 1.0 / _STEPS


def _te_table() -> np.ndarray:
    half = _TE // 2
    freqs = np.exp(np.arange(half, dtype=np.float32) * (-math.log(10000.0) / (half - 1)))
    ts = (np.arange(_STEPS, dtype=np.float32) * _DT)[:, None]
    emb = ts * freqs[None, :]
    return np.concatenate([np.sin(emb), np.cos(emb)], axis=1).astype(np.float32)


def _ln(h, g, b):
    mu = jnp.mean(h, axis=-1, keepdims=True)
    var = jnp.mean((h - mu) ** 2, axis=-1, keepdims=True)
    return (h - mu) * jax.lax.rsqrt(var + 1e-5) * g + b


def _flow_tile(
    expert_sr, active_sr,
    tok_ref,
    w_ref,
    xb_ref,
    te_ref,
    w1_ref, b1_ref, g1_ref, be1_ref,
    w2_ref, b2_ref, g2_ref, be2_ref,
    w3_ref, b3_ref,
    out_ref,
):
    i = pl.program_id(0)

    @pl.when(active_sr[i] == 1)
    def _run():
        idx = tok_ref[0]
        idx_col = jnp.reshape(idx, (_T, 1))
        oh_g = (jax.lax.broadcasted_iota(jnp.int32, (_T, _S), 1)
                == idx_col).astype(jnp.bfloat16)
        x0 = jnp.dot(oh_g, xb_ref[...], preferred_element_type=jnp.float32)

        w1 = w1_ref[0]
        b1 = b1_ref[0]
        g1 = g1_ref[0]
        be1 = be1_ref[0]
        b2 = b2_ref[0]
        g2 = g2_ref[0]
        be2 = be2_ref[0]
        b3 = b3_ref[0]
        w1d = w1[:_D, :]
        w2 = w2_ref[0]
        w3 = w3_ref[0]
        te_mm = jnp.dot(te_ref[...].astype(jnp.bfloat16), w1[_D:, :],
                        preferred_element_type=jnp.float32)

        def l1(xt, tb):
            h = jnp.dot(xt.astype(jnp.bfloat16), w1d,
                        preferred_element_type=jnp.float32) + tb
            return _ln(h * jax.nn.sigmoid(h), g1, be1)

        def l2(h):
            h = jnp.dot(h.astype(jnp.bfloat16), w2,
                        preferred_element_type=jnp.float32) + b2
            return _ln(h * jax.nn.sigmoid(h), g2, be2)

        def l3(xt, h):
            v = jnp.dot(h.astype(jnp.bfloat16), w3,
                        preferred_element_type=jnp.float32) + b3
            return xt + v * _DT

        _TH = _T // 2
        xa = x0[:_TH, :]
        xb = x0[_TH:, :]
        for s in range(_STEPS):
            tb = te_mm[s:s + 1, :] + b1
            ha = l1(xa, tb)
            hb = l1(xb, tb)
            ha = l2(ha)
            hb = l2(hb)
            xa = l3(xa, ha)
            xb = l3(xb, hb)
        y = jnp.concatenate([xa, xb], axis=0)

        oh_s = jnp.where(
            jax.lax.broadcasted_iota(jnp.int32, (_S, _T), 0) == idx,
            w_ref[0], 0.0).astype(jnp.bfloat16)
        contrib = jnp.dot(oh_s, y.astype(jnp.bfloat16),
                          preferred_element_type=jnp.float32)

        @pl.when(i == 0)
        def _init():
            out_ref[...] = contrib

        @pl.when(i > 0)
        def _acc():
            out_ref[...] = out_ref[...] + contrib


def kernel(x, gate_w, W1, b1, g1, be1, W2, b2, g2, be2, W3, b3):
    xf = x.reshape(_S, _D)

    logits = xf @ gate_w.T
    probs = jax.nn.softmax(logits, axis=-1)
    topp, topi = jax.lax.top_k(probs, _K)
    topp = topp / (topp.sum(-1, keepdims=True) + 1e-9)

    flat_e = topi.reshape(-1).astype(jnp.int32)
    flat_w = topp.reshape(-1)
    flat_tok = (jnp.arange(_S * _K, dtype=jnp.int32) // _K)
    onehot = (flat_e[:, None] == jnp.arange(_E, dtype=jnp.int32)[None, :])
    ranks = jnp.cumsum(onehot.astype(jnp.int32), axis=0)
    counts = ranks[-1]
    rank = jnp.take_along_axis(ranks, flat_e[:, None], axis=1)[:, 0] - 1
    padded = ((counts + _T - 1) // _T) * _T
    pstarts = jnp.concatenate([jnp.zeros(1, jnp.int32), jnp.cumsum(padded)[:-1]])
    ppos = pstarts[flat_e] + rank
    pad_tok = jnp.zeros(_P, jnp.int32).at[ppos].set(flat_tok)
    pad_w = jnp.zeros(_P, jnp.float32).at[ppos].set(flat_w)

    tile_ends = jnp.cumsum(padded // _T)
    n_tiles = tile_ends[-1]
    t_idx = jnp.arange(_G, dtype=jnp.int32)
    last_e = jnp.max(jnp.where(counts > 0, jnp.arange(_E, dtype=jnp.int32), 0))
    tile_expert = jnp.minimum(
        jnp.searchsorted(tile_ends, t_idx, side="right").astype(jnp.int32), last_e)
    tile_active = (t_idx < n_tiles).astype(jnp.int32)

    w1b = W1.astype(jnp.bfloat16)
    w2b = W2.astype(jnp.bfloat16)
    w3b = W3.astype(jnp.bfloat16)
    xbf = xf.astype(jnp.bfloat16)
    te = jnp.asarray(_te_table())

    grid_spec = pltpu.PrefetchScalarGridSpec(
        num_scalar_prefetch=2,
        grid=(_G,),
        in_specs=[
            pl.BlockSpec((1, 1, _T), lambda i, e, a: (i, 0, 0)),
            pl.BlockSpec((1, 1, _T), lambda i, e, a: (i, 0, 0)),
            pl.BlockSpec((_S, _D), lambda i, e, a: (0, 0)),
            pl.BlockSpec((_STEPS, _TE), lambda i, e, a: (0, 0)),
            pl.BlockSpec((1, _D + _TE, _H), lambda i, e, a: (e[i], 0, 0)),
            pl.BlockSpec((1, 1, _H), lambda i, e, a: (e[i], 0, 0)),
            pl.BlockSpec((1, 1, _H), lambda i, e, a: (e[i], 0, 0)),
            pl.BlockSpec((1, 1, _H), lambda i, e, a: (e[i], 0, 0)),
            pl.BlockSpec((1, _H, _H), lambda i, e, a: (e[i], 0, 0)),
            pl.BlockSpec((1, 1, _H), lambda i, e, a: (e[i], 0, 0)),
            pl.BlockSpec((1, 1, _H), lambda i, e, a: (e[i], 0, 0)),
            pl.BlockSpec((1, 1, _H), lambda i, e, a: (e[i], 0, 0)),
            pl.BlockSpec((1, _H, _D), lambda i, e, a: (e[i], 0, 0)),
            pl.BlockSpec((1, 1, _D), lambda i, e, a: (e[i], 0, 0)),
        ],
        out_specs=pl.BlockSpec((_S, _D), lambda i, e, a: (0, 0)),
    )

    out = pl.pallas_call(
        _flow_tile,
        grid_spec=grid_spec,
        out_shape=jax.ShapeDtypeStruct((_S, _D), jnp.float32),
        compiler_params=pltpu.CompilerParams(
            vmem_limit_bytes=100 * 1024 * 1024),
    )(
        tile_expert, tile_active,
        pad_tok.reshape(_G, 1, _T),
        pad_w.reshape(_G, 1, _T),
        xbf,
        te,
        w1b, b1.reshape(_E, 1, _H), g1.reshape(_E, 1, _H), be1.reshape(_E, 1, _H),
        w2b, b2.reshape(_E, 1, _H), g2.reshape(_E, 1, _H), be2.reshape(_E, 1, _H),
        w3b, b3.reshape(_E, 1, _D),
    )

    return out.reshape(_B, _S, _D)

# --- scband reference (transcript-rebuilt; emitter-appended) ---
"""Pipeline reference for scband-flow-matching-mo-e-36876589204274 (READ-ONLY COPY).

The authoritative reference and input builder live on the scoring server;
editing this copy changes nothing except your own understanding.
"""

import math
import jax, jax.numpy as jnp
import numpy as np

B, S, D, H, E, K, TE, STEPS = 1, 2048, 1024, 2048, 8, 2, 64, 4

def setup_inputs(seed: int = 0):
    key = jax.random.key(seed)
    ks = jax.random.split(key, 8)
    x = jax.random.normal(ks[0], (B, S, D), dtype=jnp.float32)
    gate_w = jax.random.normal(ks[1], (E, D), dtype=jnp.float32) * 0.01
    W1 = jax.random.normal(ks[2], (E, D + TE, H), dtype=jnp.float32) * (1.0 / math.sqrt(D + TE))
    b1 = jnp.zeros((E, H), jnp.float32)
    g1 = jnp.ones((E, H), jnp.float32)
    be1 = jnp.zeros((E, H), jnp.float32)
    W2 = jax.random.normal(ks[3], (E, H, H), dtype=jnp.float32) * (1.0 / math.sqrt(H))
    b2 = jnp.zeros((E, H), jnp.float32)
    g2 = jnp.ones((E, H), jnp.float32)
    be2 = jnp.zeros((E, H), jnp.float32)
    W3 = jax.random.normal(ks[4], (E, H, D), dtype=jnp.float32) * 0.01
    b3 = jnp.zeros((E, D), jnp.float32)
    return {"x": x, "gate_w": gate_w, "W1": W1, "b1": b1, "g1": g1, "be1": be1,
            "W2": W2, "b2": b2, "g2": g2, "be2": be2, "W3": W3, "b3": b3}

def _layernorm(h, g, b):
    mu = h.mean(-1, keepdims=True)
    var = ((h - mu) ** 2).mean(-1, keepdims=True)
    return (h - mu) / jnp.sqrt(var + 1e-5) * g + b

def _time_embed(t):
    half = TE // 2
    freqs = jnp.exp(jnp.arange(half, dtype=jnp.float32) * (-math.log(10000.0) / (half - 1)))
    emb = t * freqs
    return jnp.concatenate([jnp.sin(emb), jnp.cos(emb)])

def _velocity(tok, t, p):
    W1, b1, g1, be1, W2, b2, g2, be2, W3, b3 = p
    te = _time_embed(t)
    h = jnp.concatenate([tok, jnp.broadcast_to(te, (tok.shape[0], TE))], axis=-1)
    h = _layernorm(jax.nn.silu(h @ W1 + b1), g1, be1)
    h = _layernorm(jax.nn.silu(h @ W2 + b2), g2, be2)
    return h @ W3 + b3

def _flow(tok, p):
    dt = 1.0 / STEPS
    xt = tok
    for s in range(STEPS):
        xt = xt + _velocity(xt, s * dt, p) * dt
    return xt

def reference(x, gate_w, W1, b1, g1, be1, W2, b2, g2, be2, W3, b3):
    xf = x.reshape(-1, D)
    logits = xf @ gate_w.T
    probs = jax.nn.softmax(logits, axis=-1)
    topp, topi = jax.lax.top_k(probs, K)
    topp = topp / (topp.sum(-1, keepdims=True) + 1e-9)
    out = jnp.zeros_like(xf)
    for e in range(E):
        mask = (topi == e).any(axis=1)
        w = (topp * (topi == e).astype(topp.dtype)).sum(-1)
        p = (W1[e], b1[e], g1[e], be1[e], W2[e], b2[e], g2[e], be2[e], W3[e], b3[e])
        y = _flow(xf, p)
        out = out + jnp.where(mask[:, None], w[:, None] * y, jnp.zeros_like(y))
    return out.reshape(B, S, D)

if __name__ == "__main__":
    import jax
    _d = setup_inputs()
    print(jax.jit(kernel)(*tuple(_d.values())))

</pallas_src>

<mosaic_0001>
module attributes {stable_mosaic.version = 14 : i64} {
  func.func @_flow_tile(%arg0: i32, %arg1: memref<23xi32, #tpu.memory_space<smem>>, %arg2: memref<23xi32, #tpu.memory_space<smem>>, %arg3: memref<1x1x256xi32, #tpu.memory_space<vmem>>, %arg4: memref<1x1x256xf32, #tpu.memory_space<vmem>>, %arg5: memref<2048x1024xbf16, #tpu.memory_space<vmem>>, %arg6: memref<4x64xf32, #tpu.memory_space<vmem>>, %arg7: memref<1x1088x2048xbf16, #tpu.memory_space<vmem>>, %arg8: memref<1x1x2048xf32, #tpu.memory_space<vmem>>, %arg9: memref<1x1x2048xf32, #tpu.memory_space<vmem>>, %arg10: memref<1x1x2048xf32, #tpu.memory_space<vmem>>, %arg11: memref<1x2048x2048xbf16, #tpu.memory_space<vmem>>, %arg12: memref<1x1x2048xf32, #tpu.memory_space<vmem>>, %arg13: memref<1x1x2048xf32, #tpu.memory_space<vmem>>, %arg14: memref<1x1x2048xf32, #tpu.memory_space<vmem>>, %arg15: memref<1x2048x1024xbf16, #tpu.memory_space<vmem>>, %arg16: memref<1x1x1024xf32, #tpu.memory_space<vmem>>, %arg17: memref<2048x1024xf32, #tpu.memory_space<vmem>>) attributes {dimension_semantics = [#tpu.dimension_semantics<arbitrary>], iteration_bounds = array<i64: 23>, scalar_prefetch = 2 : i64, scratch_operands = 0 : i64, tpu.core_type = #tpu.core_type<tc>, window_params = [{transform_indices = @transform_0, window_bounds = array<i64: 1, 1, 256>}, {transform_indices = @transform_1, window_bounds = array<i64: 1, 1, 256>}, {pipeline_mode = #tpu.pipeline_mode<synchronous>, transform_indices = @transform_2, window_bounds = array<i64: 2048, 1024>}, {pipeline_mode = #tpu.pipeline_mode<synchronous>, transform_indices = @transform_3, window_bounds = array<i64: 4, 64>}, {transform_indices = @transform_4, window_bounds = array<i64: 1, 1088, 2048>}, {transform_indices = @transform_5, window_bounds = array<i64: 1, 1, 2048>}, {transform_indices = @transform_6, window_bounds = array<i64: 1, 1, 2048>}, {transform_indices = @transform_7, window_bounds = array<i64: 1, 1, 2048>}, {transform_indices = @transform_8, window_bounds = array<i64: 1, 2048, 2048>}, {transform_indices = @transform_9, window_bounds = array<i64: 1, 1, 2048>}, {transform_indices = @transform_10, window_bounds = array<i64: 1, 1, 2048>}, {transform_indices = @transform_11, window_bounds = array<i64: 1, 1, 2048>}, {transform_indices = @transform_12, window_bounds = array<i64: 1, 2048, 1024>}, {transform_indices = @transform_13, window_bounds = array<i64: 1, 1, 1024>}, {pipeline_mode = #tpu.pipeline_mode<synchronous>, transform_indices = @transform_14, window_bounds = array<i64: 2048, 1024>}]} {
    %get3A = arith.index_cast %arg0 : i32 to index
    %get3A_0 = memref.load %arg2[%get3A] : memref<23xi32, #tpu.memory_space<smem>>
    %eq3A = arith.constant 1 : i32
    %eq3A_1 = arith.cmpi eq, %get3A_0, %eq3A : i32
    %convert_element_type3A = arith.extui %eq3A_1 : i1 to i32
    %cond3A = arith.constant 0 : i32
    %cond3A_2 = arith.cmpi ne, %convert_element_type3A, %cond3A : i32
    scf.if %cond3A_2 {
      %get3A_3 = arith.constant 0 : index
      %get3A_4 = arith.constant 0 : index
      %get3A_5 = arith.constant 0 : index
      %get3A_6 = vector.load %arg3[%get3A_3, %get3A_4, %get3A_5] : memref<1x1x256xi32, #tpu.memory_space<vmem>>, vector<1x1x256xi32>
      %get3A_7 = vector.shape_cast %get3A_6 : vector<1x1x256xi32> to vector<1x256xi32>
      %reshape3A = vector.shape_cast %get3A_7 : vector<1x256xi32> to vector<256x1xi32>
      %iota3A = tpu.iota {dimensions = array<i32: 1>} : vector<256x2048xi32>
      %eq3A_8 = vector.broadcast %reshape3A : vector<256x1xi32> to vector<256x2048xi32>
      %eq3A_9 = arith.cmpi eq, %iota3A, %eq3A_8 : vector<256x2048xi32>
      %convert_element_type3A_10 = arith.extui %eq3A_9 : vector<256x2048xi1> to vector<256x2048xi32>
      %convert_element_type3A_11 = arith.sitofp %convert_element_type3A_10 : vector<256x2048xi32> to vector<256x2048xf32>
      %convert_element_type3A_12 = arith.truncf %convert_element_type3A_11 : vector<256x2048xf32> to vector<256x2048xbf16>
      %get3A_13 = arith.constant 0 : index
      %get3A_14 = arith.constant 0 : index
      %get3A_15 = vector.load %arg5[%get3A_13, %get3A_14] : memref<2048x1024xbf16, #tpu.memory_space<vmem>>, vector<2048x1024xbf16>
      %dot_general3A = arith.constant dense<0.000000e+00> : vector<256x1024xf32>
      %dot_general3A_16 = tpu.matmul %convert_element_type3A_12, %get3A_15, %dot_general3A {dimension_numbers = #tpu.dot_dimension_numbers<[1], [0], [0], [1], [0, 0, 1, 1], [], []>, transpose_lhs_hint = false} : vector<256x2048xbf16>, vector<2048x1024xbf16>, vector<256x1024xf32> -> vector<256x1024xf32>
      %get3A_17 = arith.constant 0 : index
      %get3A_18 = arith.constant 0 : index
      %get3A_19 = arith.constant 0 : index
      %get3A_20 = vector.load %arg7[%get3A_17, %get3A_18, %get3A_19] : memref<1x1088x2048xbf16, #tpu.memory_space<vmem>>, vector<1x1088x2048xbf16>
      %get3A_21 = vector.shape_cast %get3A_20 : vector<1x1088x2048xbf16> to vector<1088x2048xbf16>
      %get3A_22 = arith.constant 0 : index
      %get3A_23 = arith.constant 0 : index
      %get3A_24 = arith.constant 0 : index
      %get3A_25 = vector.load %arg8[%get3A_22, %get3A_23, %get3A_24] : memref<1x1x2048xf32, #tpu.memory_space<vmem>>, vector<1x1x2048xf32>
      %get3A_26 = vector.shape_cast %get3A_25 : vector<1x1x2048xf32> to vector<1x2048xf32>
      %get3A_27 = arith.constant 0 : index
      %get3A_28 = arith.constant 0 : index
      %get3A_29 = arith.constant 0 : index
      %get3A_30 = vector.load %arg9[%get3A_27, %get3A_28, %get3A_29] : memref<1x1x2048xf32, #tpu.memory_space<vmem>>, vector<1x1x2048xf32>
      %get3A_31 = vector.shape_cast %get3A_30 : vector<1x1x2048xf32> to vector<1x2048xf32>
      %get3A_32 = arith.constant 0 : index
      %get3A_33 = arith.constant 0 : index
      %get3A_34 = arith.constant 0 : index
      %get3A_35 = vector.load %arg10[%get3A_32, %get3A_33, %get3A_34] : memref<1x1x2048xf32, #tpu.memory_space<vmem>>, vector<1x1x2048xf32>
      %get3A_36 = vector.shape_cast %get3A_35 : vector<1x1x2048xf32> to vector<1x2048xf32>
      %get3A_37 = arith.constant 0 : index
      %get3A_38 = arith.constant 0 : index
      %get3A_39 = arith.constant 0 : index
      %get3A_40 = vector.load %arg12[%get3A_37, %get3A_38, %get3A_39] : memref<1x1x2048xf32, #tpu.memory_space<vmem>>, vector<1x1x2048xf32>
      %get3A_41 = vector.shape_cast %get3A_40 : vector<1x1x2048xf32> to vector<1x2048xf32>
      %get3A_42 = arith.constant 0 : index
      %get3A_43 = arith.constant 0 : index
      %get3A_44 = arith.constant 0 : index
      %get3A_45 = vector.load %arg13[%get3A_42, %get3A_43, %get3A_44] : memref<1x1x2048xf32, #tpu.memory_space<vmem>>, vector<1x1x2048xf32>
      %get3A_46 = vector.shape_cast %get3A_45 : vector<1x1x2048xf32> to vector<1x2048xf32>
      %get3A_47 = arith.constant 0 : index
      %get3A_48 = arith.constant 0 : index
      %get3A_49 = arith.constant 0 : index
      %get3A_50 = vector.load %arg14[%get3A_47, %get3A_48, %get3A_49] : memref<1x1x2048xf32, #tpu.memory_space<vmem>>, vector<1x1x2048xf32>
      %get3A_51 = vector.shape_cast %get3A_50 : vector<1x1x2048xf32> to vector<1x2048xf32>
      %get3A_52 = arith.constant 0 : index
      %get3A_53 = arith.constant 0 : index
      %get3A_54 = arith.constant 0 : index
      %get3A_55 = vector.load %arg16[%get3A_52, %get3A_53, %get3A_54] : memref<1x1x1024xf32, #tpu.memory_space<vmem>>, vector<1x1x1024xf32>
      %get3A_56 = vector.shape_cast %get3A_55 : vector<1x1x1024xf32> to vector<1x1024xf32>
      %slice3A = vector.extract_strided_slice %get3A_21 {offsets = [0, 0], sizes = [1024, 2048], strides = [1, 1]} : vector<1088x2048xbf16> to vector<1024x2048xbf16>
      %get3A_57 = arith.constant 0 : index
      %get3A_58 = arith.constant 0 : index
      %get3A_59 = arith.constant 0 : index
      %get3A_60 = vector.load %arg11[%get3A_57, %get3A_58, %get3A_59] : memref<1x2048x2048xbf16, #tpu.memory_space<vmem>>, vector<1x2048x2048xbf16>
      %get3A_61 = vector.shape_cast %get3A_60 : vector<1x2048x2048xbf16> to vector<2048x2048xbf16>
      %get3A_62 = arith.constant 0 : index
      %get3A_63 = arith.constant 0 : index
      %get3A_64 = arith.constant 0 : index
      %get3A_65 = vector.load %arg15[%get3A_62, %get3A_63, %get3A_64] : memref<1x2048x1024xbf16, #tpu.memory_space<vmem>>, vector<1x2048x1024xbf16>
      %get3A_66 = vector.shape_cast %get3A_65 : vector<1x2048x1024xbf16> to vector<2048x1024xbf16>
      %get3A_67 = arith.constant 0 : index
      %get3A_68 = arith.constant 0 : index
      %get3A_69 = vector.load %arg6[%get3A_67, %get3A_68] : memref<4x64xf32, #tpu.memory_space<vmem>>, vector<4x64xf32>
      %convert_element_type3A_70 = arith.truncf %get3A_69 : vector<4x64xf32> to vector<4x64xbf16>
      %slice3A_71 = vector.extract_strided_slice %get3A_21 {offsets = [1024, 0], sizes = [64, 2048], strides = [1, 1]} : vector<1088x2048xbf16> to vector<64x2048xbf16>
      %dot_general3A_72 = arith.constant dense<0.000000e+00> : vector<4x2048xf32>
      %dot_general3A_73 = tpu.matmul %convert_element_type3A_70, %slice3A_71, %dot_general3A_72 {dimension_numbers = #tpu.dot_dimension_numbers<[1], [0], [0], [1], [0, 0, 1, 1], [], []>, transpose_lhs_hint = false} : vector<4x64xbf16>, vector<64x2048xbf16>, vector<4x2048xf32> -> vector<4x2048xf32>
      %slice3A_74 = vector.extract_strided_slice %dot_general3A_16 {offsets = [0, 0], sizes = [128, 1024], strides = [1, 1]} : vector<256x1024xf32> to vector<128x1024xf32>
      %slice3A_75 = vector.extract_strided_slice %dot_general3A_16 {offsets = [128, 0], sizes = [128, 1024], strides = [1, 1]} : vector<256x1024xf32> to vector<128x1024xf32>
      %slice3A_76 = vector.extract_strided_slice %dot_general3A_73 {offsets = [0, 0], sizes = [1, 2048], strides = [1, 1]} : vector<4x2048xf32> to vector<1x2048xf32>
      %add3A = arith.addf %slice3A_76, %get3A_26 : vector<1x2048xf32>
      %convert_element_type3A_77 = arith.truncf %slice3A_74 : vector<128x1024xf32> to vector<128x1024xbf16>
      %dot_general3A_78 = arith.constant dense<0.000000e+00> : vector<128x2048xf32>
      %dot_general3A_79 = tpu.matmul %convert_element_type3A_77, %slice3A, %dot_general3A_78 {dimension_numbers = #tpu.dot_dimension_numbers<[1], [0], [0], [1], [0, 0, 1, 1], [], []>, transpose_lhs_hint = false} : vector<128x1024xbf16>, vector<1024x2048xbf16>, vector<128x2048xf32> -> vector<128x2048xf32>
      %add3A_80 = vector.broadcast %add3A : vector<1x2048xf32> to vector<128x2048xf32>
      %add3A_81 = arith.addf %dot_general3A_79, %add3A_80 : vector<128x2048xf32>
      %logistic3A = arith.negf %add3A_81 : vector<128x2048xf32>
      %logistic3A_82 = math.exp %logistic3A : vector<128x2048xf32>
      %logistic3A_83 = arith.constant 1.000000e+00 : f32
      %logistic3A_84 = vector.broadcast %logistic3A_83 : f32 to vector<128x2048xf32>
      %logistic3A_85 = arith.addf %logistic3A_84, %logistic3A_82 : vector<128x2048xf32>
      %logistic3A_86 = arith.divf %logistic3A_84, %logistic3A_85 : vector<128x2048xf32>
      %mul3A = arith.mulf %add3A_81, %logistic3A_86 : vector<128x2048xf32>
      %reduce_sum3A = arith.constant dense<0.000000e+00> : vector<128xf32>
      %reduce_sum3A_87 = vector.multi_reduction <add>, %mul3A, %reduce_sum3A [1] : vector<128x2048xf32> to vector<128xf32>
      %broadcast_in_dim3A = vector.shape_cast %reduce_sum3A_87 : vector<128xf32> to vector<128x1xf32>
      %div3A = arith.constant 2.048000e+03 : f32
      %div3A_88 = vector.broadcast %div3A : f32 to vector<128x1xf32>
      %div3A_89 = arith.divf %broadcast_in_dim3A, %div3A_88 : vector<128x1xf32>
      %sub3A = vector.broadcast %div3A_89 : vector<128x1xf32> to vector<128x2048xf32>
      %sub3A_90 = arith.subf %mul3A, %sub3A : vector<128x2048xf32>
      %integer_pow3A = arith.mulf %sub3A_90, %sub3A_90 : vector<128x2048xf32>
      %reduce_sum3A_91 = arith.constant dense<0.000000e+00> : vector<128xf32>
      %reduce_sum3A_92 = vector.multi_reduction <add>, %integer_pow3A, %reduce_sum3A_91 [1] : vector<128x2048xf32> to vector<128xf32>
      %broadcast_in_dim3A_93 = vector.shape_cast %reduce_sum3A_92 : vector<128xf32> to vector<128x1xf32>
      %div3A_94 = arith.constant 2.048000e+03 : f32
      %div3A_95 = vector.broadcast %div3A_94 : f32 to vector<128x1xf32>
      %div3A_96 = arith.divf %broadcast_in_dim3A_93, %div3A_95 : vector<128x1xf32>
      %sub3A_97 = vector.broadcast %div3A_89 : vector<128x1xf32> to vector<128x2048xf32>
      %sub3A_98 = arith.subf %mul3A, %sub3A_97 : vector<128x2048xf32>
      %add3A_99 = arith.constant 9.99999974E-6 : f32
      %add3A_100 = vector.broadcast %add3A_99 : f32 to vector<128x1xf32>
      %add3A_101 = arith.addf %div3A_96, %add3A_100 : vector<128x1xf32>
      %rsqrt3A = math.rsqrt %add3A_101 : vector<128x1xf32>
      %mul3A_102 = vector.broadcast %rsqrt3A : vector<128x1xf32> to vector<128x2048xf32>
      %mul3A_103 = arith.mulf %sub3A_98, %mul3A_102 : vector<128x2048xf32>
      %mul3A_104 = vector.broadcast %get3A_31 : vector<1x2048xf32> to vector<128x2048xf32>
      %mul3A_105 = arith.mulf %mul3A_103, %mul3A_104 : vector<128x2048xf32>
      %add3A_106 = vector.broadcast %get3A_36 : vector<1x2048xf32> to vector<128x2048xf32>
      %add3A_107 = arith.addf %mul3A_105, %add3A_106 : vector<128x2048xf32>
      %convert_element_type3A_108 = arith.truncf %slice3A_75 : vector<128x1024xf32> to vector<128x1024xbf16>
      %dot_general3A_109 = arith.constant dense<0.000000e+00> : vector<128x2048xf32>
      %dot_general3A_110 = tpu.matmul %convert_element_type3A_108, %slice3A, %dot_general3A_109 {dimension_numbers = #tpu.dot_dimension_numbers<[1], [0], [0], [1], [0, 0, 1, 1], [], []>, transpose_lhs_hint = false} : vector<128x1024xbf16>, vector<1024x2048xbf16>, vector<128x2048xf32> -> vector<128x2048xf32>
      %add3A_111 = vector.broadcast %add3A : vector<1x2048xf32> to vector<128x2048xf32>
      %add3A_112 = arith.addf %dot_general3A_110, %add3A_111 : vector<128x2048xf32>
      %logistic3A_113 = arith.negf %add3A_112 : vector<128x2048xf32>
      %logistic3A_114 = math.exp %logistic3A_113 : vector<128x2048xf32>
      %logistic3A_115 = arith.constant 1.000000e+00 : f32
      %logistic3A_116 = vector.broadcast %logistic3A_115 : f32 to vector<128x2048xf32>
      %logistic3A_117 = arith.addf %logistic3A_116, %logistic3A_114 : vector<128x2048xf32>
      %logistic3A_118 = arith.divf %logistic3A_116, %logistic3A_117 : vector<128x2048xf32>
      %mul3A_119 = arith.mulf %add3A_112, %logistic3A_118 : vector<128x2048xf32>
      %reduce_sum3A_120 = arith.constant dense<0.000000e+00> : vector<128xf32>
      %reduce_sum3A_121 = vector.multi_reduction <add>, %mul3A_119, %reduce_sum3A_120 [1] : vector<128x2048xf32> to vector<128xf32>
      %broadcast_in_dim3A_122 = vector.shape_cast %reduce_sum3A_121 : vector<128xf32> to vector<128x1xf32>
      %div3A_123 = arith.constant 2.048000e+03 : f32
      %div3A_124 = vector.broadcast %div3A_123 : f32 to vector<128x1xf32>
      %div3A_125 = arith.divf %broadcast_in_dim3A_122, %div3A_124 : vector<128x1xf32>
      %sub3A_126 = vector.broadcast %div3A_125 : vector<128x1xf32> to vector<128x2048xf32>
      %sub3A_127 = arith.subf %mul3A_119, %sub3A_126 : vector<128x2048xf32>
      %integer_pow3A_128 = arith.mulf %sub3A_127, %sub3A_127 : vector<128x2048xf32>
      %reduce_sum3A_129 = arith.constant dense<0.000000e+00> : vector<128xf32>
      %reduce_sum3A_130 = vector.multi_reduction <add>, %integer_pow3A_128, %reduce_sum3A_129 [1] : vector<128x2048xf32> to vector<128xf32>
      %broadcast_in_dim3A_131 = vector.shape_cast %reduce_sum3A_130 : vector<128xf32> to vector<128x1xf32>
      %div3A_132 = arith.constant 2.048000e+03 : f32
      %div3A_133 = vector.broadcast %div3A_132 : f32 to vector<128x1xf32>
      %div3A_134 = arith.divf %broadcast_in_dim3A_131, %div3A_133 : vector<128x1xf32>
      %sub3A_135 = vector.broadcast %div3A_125 : vector<128x1xf32> to vector<128x2048xf32>
      %sub3A_136 = arith.subf %mul3A_119, %sub3A_135 : vector<128x2048xf32>
      %add3A_137 = arith.constant 9.99999974E-6 : f32
      %add3A_138 = vector.broadcast %add3A_137 : f32 to vector<128x1xf32>
      %add3A_139 = arith.addf %div3A_134, %add3A_138 : vector<128x1xf32>
      %rsqrt3A_140 = math.rsqrt %add3A_139 : vector<128x1xf32>
      %mul3A_141 = vector.broadcast %rsqrt3A_140 : vector<128x1xf32> to vector<128x2048xf32>
      %mul3A_142 = arith.mulf %sub3A_136, %mul3A_141 : vector<128x2048xf32>
      %mul3A_143 = vector.broadcast %get3A_31 : vector<1x2048xf32> to vector<128x2048xf32>
      %mul3A_144 = arith.mulf %mul3A_142, %mul3A_143 : vector<128x2048xf32>
      %add3A_145 = vector.broadcast %get3A_36 : vector<1x2048xf32> to vector<128x2048xf32>
      %add3A_146 = arith.addf %mul3A_144, %add3A_145 : vector<128x2048xf32>
      %convert_element_type3A_147 = arith.truncf %add3A_107 : vector<128x2048xf32> to vector<128x2048xbf16>
      %dot_general3A_148 = arith.constant dense<0.000000e+00> : vector<128x2048xf32>
      %dot_general3A_149 = tpu.matmul %convert_element_type3A_147, %get3A_61, %dot_general3A_148 {dimension_numbers = #tpu.dot_dimension_numbers<[1], [0], [0], [1], [0, 0, 1, 1], [], []>, transpose_lhs_hint = false} : vector<128x2048xbf16>, vector<2048x2048xbf16>, vector<128x2048xf32> -> vector<128x2048xf32>
      %add3A_150 = vector.broadcast %get3A_41 : vector<1x2048xf32> to vector<128x2048xf32>
      %add3A_151 = arith.addf %dot_general3A_149, %add3A_150 : vector<128x2048xf32>
      %logistic3A_152 = arith.negf %add3A_151 : vector<128x2048xf32>
      %logistic3A_153 = math.exp %logistic3A_152 : vector<128x2048xf32>
      %logistic3A_154 = arith.constant 1.000000e+00 : f32
      %logistic3A_155 = vector.broadcast %logistic3A_154 : f32 to vector<128x2048xf32>
      %logistic3A_156 = arith.addf %logistic3A_155, %logistic3A_153 : vector<128x2048xf32>
      %logistic3A_157 = arith.divf %logistic3A_155, %logistic3A_156 : vector<128x2048xf32>
      %mul3A_158 = arith.mulf %add3A_151, %logistic3A_157 : vector<128x2048xf32>
      %reduce_sum3A_159 = arith.constant dense<0.000000e+00> : vector<128xf32>
      %reduce_sum3A_160 = vector.multi_reduction <add>, %mul3A_158, %reduce_sum3A_159 [1] : vector<128x2048xf32> to vector<128xf32>
      %broadcast_in_dim3A_161 = vector.shape_cast %reduce_sum3A_160 : vector<128xf32> to vector<128x1xf32>
      %div3A_162 = arith.constant 2.048000e+03 : f32
      %div3A_163 = vector.broadcast %div3A_162 : f32 to vector<128x1xf32>
      %div3A_164 = arith.divf %broadcast_in_dim3A_161, %div3A_163 : vector<128x1xf32>
      %sub3A_165 = vector.broadcast %div3A_164 : vector<128x1xf32> to vector<128x2048xf32>
      %sub3A_166 = arith.subf %mul3A_158, %sub3A_165 : vector<128x2048xf32>
      %integer_pow3A_167 = arith.mulf %sub3A_166, %sub3A_166 : vector<128x2048xf32>
      %reduce_sum3A_168 = arith.constant dense<0.000000e+00> : vector<128xf32>
      %reduce_sum3A_169 = vector.multi_reduction <add>, %integer_pow3A_167, %reduce_sum3A_168 [1] : vector<128x2048xf32> to vector<128xf32>
      %broadcast_in_dim3A_170 = vector.shape_cast %reduce_sum3A_169 : vector<128xf32> to vector<128x1xf32>
      %div3A_171 = arith.constant 2.048000e+03 : f32
      %div3A_172 = vector.broadcast %div3A_171 : f32 to vector<128x1xf32>
      %div3A_173 = arith.divf %broadcast_in_dim3A_170, %div3A_172 : vector<128x1xf32>
      %sub3A_174 = vector.broadcast %div3A_164 : vector<128x1xf32> to vector<128x2048xf32>
      %sub3A_175 = arith.subf %mul3A_158, %sub3A_174 : vector<128x2048xf32>
      %add3A_176 = arith.constant 9.99999974E-6 : f32
      %add3A_177 = vector.broadcast %add3A_176 : f32 to vector<128x1xf32>
      %add3A_178 = arith.addf %div3A_173, %add3A_177 : vector<128x1xf32>
      %rsqrt3A_179 = math.rsqrt %add3A_178 : vector<128x1xf32>
      %mul3A_180 = vector.broadcast %rsqrt3A_179 : vector<128x1xf32> to vector<128x2048xf32>
      %mul3A_181 = arith.mulf %sub3A_175, %mul3A_180 : vector<128x2048xf32>
      %mul3A_182 = vector.broadcast %get3A_46 : vector<1x2048xf32> to vector<128x2048xf32>
      %mul3A_183 = arith.mulf %mul3A_181, %mul3A_182 : vector<128x2048xf32>
      %add3A_184 = vector.broadcast %get3A_51 : vector<1x2048xf32> to vector<128x2048xf32>
      %add3A_185 = arith.addf %mul3A_183, %add3A_184 : vector<128x2048xf32>
      %convert_element_type3A_186 = arith.truncf %add3A_146 : vector<128x2048xf32> to vector<128x2048xbf16>
      %dot_general3A_187 = arith.constant dense<0.000000e+00> : vector<128x2048xf32>
      %dot_general3A_188 = tpu.matmul %convert_element_type3A_186, %get3A_61, %dot_general3A_187 {dimension_numbers = #tpu.dot_dimension_numbers<[1], [0], [0], [1], [0, 0, 1, 1], [], []>, transpose_lhs_hint = false} : vector<128x2048xbf16>, vector<2048x2048xbf16>, vector<128x2048xf32> -> vector<128x2048xf32>
      %add3A_189 = vector.broadcast %get3A_41 : vector<1x2048xf32> to vector<128x2048xf32>
      %add3A_190 = arith.addf %dot_general3A_188, %add3A_189 : vector<128x2048xf32>
      %logistic3A_191 = arith.negf %add3A_190 : vector<128x2048xf32>
      %logistic3A_192 = math.exp %logistic3A_191 : vector<128x2048xf32>
      %logistic3A_193 = arith.constant 1.000000e+00 : f32
      %logistic3A_194 = vector.broadcast %logistic3A_193 : f32 to vector<128x2048xf32>
      %logistic3A_195 = arith.addf %logistic3A_194, %logistic3A_192 : vector<128x2048xf32>
      %logistic3A_196 = arith.divf %logistic3A_194, %logistic3A_195 : vector<128x2048xf32>
      %mul3A_197 = arith.mulf %add3A_190, %logistic3A_196 : vector<128x2048xf32>
      %reduce_sum3A_198 = arith.constant dense<0.000000e+00> : vector<128xf32>
      %reduce_sum3A_199 = vector.multi_reduction <add>, %mul3A_197, %reduce_sum3A_198 [1] : vector<128x2048xf32> to vector<128xf32>
      %broadcast_in_dim3A_200 = vector.shape_cast %reduce_sum3A_199 : vector<128xf32> to vector<128x1xf32>
      %div3A_201 = arith.constant 2.048000e+03 : f32
      %div3A_202 = vector.broadcast %div3A_201 : f32 to vector<128x1xf32>
      %div3A_203 = arith.divf %broadcast_in_dim3A_200, %div3A_202 : vector<128x1xf32>
      %sub3A_204 = vector.broadcast %div3A_203 : vector<128x1xf32> to vector<128x2048xf32>
      %sub3A_205 = arith.subf %mul3A_197, %sub3A_204 : vector<128x2048xf32>
      %integer_pow3A_206 = arith.mulf %sub3A_205, %sub3A_205 : vector<128x2048xf32>
      %reduce_sum3A_207 = arith.constant dense<0.000000e+00> : vector<128xf32>
      %reduce_sum3A_208 = vector.multi_reduction <add>, %integer_pow3A_206, %reduce_sum3A_207 [1] : vector<128x2048xf32> to vector<128xf32>
      %broadcast_in_dim3A_209 = vector.shape_cast %reduce_sum3A_208 : vector<128xf32> to vector<128x1xf32>
      %div3A_210 = arith.constant 2.048000e+03 : f32
      %div3A_211 = vector.broadcast %div3A_210 : f32 to vector<128x1xf32>
      %div3A_212 = arith.divf %broadcast_in_dim3A_209, %div3A_211 : vector<128x1xf32>
      %sub3A_213 = vector.broadcast %div3A_203 : vector<128x1xf32> to vector<128x2048xf32>
      %sub3A_214 = arith.subf %mul3A_197, %sub3A_213 : vector<128x2048xf32>
      %add3A_215 = arith.constant 9.99999974E-6 : f32
      %add3A_216 = vector.broadcast %add3A_215 : f32 to vector<128x1xf32>
      %add3A_217 = arith.addf %div3A_212, %add3A_216 : vector<128x1xf32>
      %rsqrt3A_218 = math.rsqrt %add3A_217 : vector<128x1xf32>
      %mul3A_219 = vector.broadcast %rsqrt3A_218 : vector<128x1xf32> to vector<128x2048xf32>
      %mul3A_220 = arith.mulf %sub3A_214, %mul3A_219 : vector<128x2048xf32>
      %mul3A_221 = vector.broadcast %get3A_46 : vector<1x2048xf32> to vector<128x2048xf32>
      %mul3A_222 = arith.mulf %mul3A_220, %mul3A_221 : vector<128x2048xf32>
      %add3A_223 = vector.broadcast %get3A_51 : vector<1x2048xf32> to vector<128x2048xf32>
      %add3A_224 = arith.addf %mul3A_222, %add3A_223 : vector<128x2048xf32>
      %convert_element_type3A_225 = arith.truncf %add3A_185 : vector<128x2048xf32> to vector<128x2048xbf16>
      %dot_general3A_226 = arith.constant dense<0.000000e+00> : vector<128x1024xf32>
      %dot_general3A_227 = tpu.matmul %convert_element_type3A_225, %get3A_66, %dot_general3A_226 {dimension_numbers = #tpu.dot_dimension_numbers<[1], [0], [0], [1], [0, 0, 1, 1], [], []>, transpose_lhs_hint = false} : vector<128x2048xbf16>, vector<2048x1024xbf16>, vector<128x1024xf32> -> vector<128x1024xf32>
      %add3A_228 = vector.broadcast %get3A_56 : vector<1x1024xf32> to vector<128x1024xf32>
      %add3A_229 = arith.addf %dot_general3A_227, %add3A_228 : vector<128x1024xf32>
      %mul3A_230 = arith.constant 2.500000e-01 : f32
      %mul3A_231 = vector.broadcast %mul3A_230 : f32 to vector<128x1024xf32>
      %mul3A_232 = arith.mulf %add3A_229, %mul3A_231 : vector<128x1024xf32>
      %add3A_233 = arith.addf %slice3A_74, %mul3A_232 : vector<128x1024xf32>
      %convert_element_type3A_234 = arith.truncf %add3A_224 : vector<128x2048xf32> to vector<128x2048xbf16>
      %dot_general3A_235 = arith.constant dense<0.000000e+00> : vector<128x1024xf32>
      %dot_general3A_236 = tpu.matmul %convert_element_type3A_234, %get3A_66, %dot_general3A_235 {dimension_numbers = #tpu.dot_dimension_numbers<[1], [0], [0], [1], [0, 0, 1, 1], [], []>, transpose_lhs_hint = false} : vector<128x2048xbf16>, vector<2048x1024xbf16>, vector<128x1024xf32> -> vector<128x1024xf32>
      %add3A_237 = vector.broadcast %get3A_56 : vector<1x1024xf32> to vector<128x1024xf32>
      %add3A_238 = arith.addf %dot_general3A_236, %add3A_237 : vector<128x1024xf32>
      %mul3A_239 = arith.constant 2.500000e-01 : f32
      %mul3A_240 = vector.broadcast %mul3A_239 : f32 to vector<128x1024xf32>
      %mul3A_241 = arith.mulf %add3A_238, %mul3A_240 : vector<128x1024xf32>
      %add3A_242 = arith.addf %slice3A_75, %mul3A_241 : vector<128x1024xf32>
      %slice3A_243 = vector.extract_strided_slice %dot_general3A_73 {offsets = [1, 0], sizes = [1, 2048], strides = [1, 1]} : vector<4x2048xf32> to vector<1x2048xf32>
      %add3A_244 = arith.addf %slice3A_243, %get3A_26 : vector<1x2048xf32>
      %convert_element_type3A_245 = arith.truncf %add3A_233 : vector<128x1024xf32> to vector<128x1024xbf16>
      %dot_general3A_246 = arith.constant dense<0.000000e+00> : vector<128x2048xf32>
      %dot_general3A_247 = tpu.matmul %convert_element_type3A_245, %slice3A, %dot_general3A_246 {dimension_numbers = #tpu.dot_dimension_numbers<[1], [0], [0], [1], [0, 0, 1, 1], [], []>, transpose_lhs_hint = false} : vector<128x1024xbf16>, vector<1024x2048xbf16>, vector<128x2048xf32> -> vector<128x2048xf32>
      %add3A_248 = vector.broadcast %add3A_244 : vector<1x2048xf32> to vector<128x2048xf32>
      %add3A_249 = arith.addf %dot_general3A_247, %add3A_248 : vector<128x2048xf32>
      %logistic3A_250 = arith.negf %add3A_249 : vector<128x2048xf32>
      %logistic3A_251 = math.exp %logistic3A_250 : vector<128x2048xf32>
      %logistic3A_252 = arith.constant 1.000000e+00 : f32
      %logistic3A_253 = vector.broadcast %logistic3A_252 : f32 to vector<128x2048xf32>
      %logistic3A_254 = arith.addf %logistic3A_253, %logistic3A_251 : vector<128x2048xf32>
      %logistic3A_255 = arith.divf %logistic3A_253, %logistic3A_254 : vector<128x2048xf32>
      %mul3A_256 = arith.mulf %add3A_249, %logistic3A_255 : vector<128x2048xf32>
      %reduce_sum3A_257 = arith.constant dense<0.000000e+00> : vector<128xf32>
      %reduce_sum3A_258 = vector.multi_reduction <add>, %mul3A_256, %reduce_sum3A_257 [1] : vector<128x2048xf32> to vector<128xf32>
      %broadcast_in_dim3A_259 = vector.shape_cast %reduce_sum3A_258 : vector<128xf32> to vector<128x1xf32>
      %div3A_260 = arith.constant 2.048000e+03 : f32
      %div3A_261 = vector.broadcast %div3A_260 : f32 to vector<128x1xf32>
      %div3A_262 = arith.divf %broadcast_in_dim3A_259, %div3A_261 : vector<128x1xf32>
      %sub3A_263 = vector.broadcast %div3A_262 : vector<128x1xf32> to vector<128x2048xf32>
      %sub3A_264 = arith.subf %mul3A_256, %sub3A_263 : vector<128x2048xf32>
      %integer_pow3A_265 = arith.mulf %sub3A_264, %sub3A_264 : vector<128x2048xf32>
      %reduce_sum3A_266 = arith.constant dense<0.000000e+00> : vector<128xf32>
      %reduce_sum3A_267 = vector.multi_reduction <add>, %integer_pow3A_265, %reduce_sum3A_266 [1] : vector<128x2048xf32> to vector<128xf32>
      %broadcast_in_dim3A_268 = vector.shape_cast %reduce_sum3A_267 : vector<128xf32> to vector<128x1xf32>
      %div3A_269 = arith.constant 2.048000e+03 : f32
      %div3A_270 = vector.broadcast %div3A_269 : f32 to vector<128x1xf32>
      %div3A_271 = arith.divf %broadcast_in_dim3A_268, %div3A_270 : vector<128x1xf32>
      %sub3A_272 = vector.broadcast %div3A_262 : vector<128x1xf32> to vector<128x2048xf32>
      %sub3A_273 = arith.subf %mul3A_256, %sub3A_272 : vector<128x2048xf32>
      %add3A_274 = arith.constant 9.99999974E-6 : f32
      %add3A_275 = vector.broadcast %add3A_274 : f32 to vector<128x1xf32>
      %add3A_276 = arith.addf %div3A_271, %add3A_275 : vector<128x1xf32>
      %rsqrt3A_277 = math.rsqrt %add3A_276 : vector<128x1xf32>
      %mul3A_278 = vector.broadcast %rsqrt3A_277 : vector<128x1xf32> to vector<128x2048xf32>
      %mul3A_279 = arith.mulf %sub3A_273, %mul3A_278 : vector<128x2048xf32>
      %mul3A_280 = vector.broadcast %get3A_31 : vector<1x2048xf32> to vector<128x2048xf32>
      %mul3A_281 = arith.mulf %mul3A_279, %mul3A_280 : vector<128x2048xf32>
      %add3A_282 = vector.broadcast %get3A_36 : vector<1x2048xf32> to vector<128x2048xf32>
      %add3A_283 = arith.addf %mul3A_281, %add3A_282 : vector<128x2048xf32>
      %convert_element_type3A_284 = arith.truncf %add3A_242 : vector<128x1024xf32> to vector<128x1024xbf16>
      %dot_general3A_285 = arith.constant dense<0.000000e+00> : vector<128x2048xf32>
      %dot_general3A_286 = tpu.matmul %convert_element_type3A_284, %slice3A, %dot_general3A_285 {dimension_numbers = #tpu.dot_dimension_numbers<[1], [0], [0], [1], [0, 0, 1, 1], [], []>, transpose_lhs_hint = false} : vector<128x1024xbf16>, vector<1024x2048xbf16>, vector<128x2048xf32> -> vector<128x2048xf32>
      %add3A_287 = vector.broadcast %add3A_244 : vector<1x2048xf32> to vector<128x2048xf32>
      %add3A_288 = arith.addf %dot_general3A_286, %add3A_287 : vector<128x2048xf32>
      %logistic3A_289 = arith.negf %add3A_288 : vector<128x2048xf32>
      %logistic3A_290 = math.exp %logistic3A_289 : vector<128x2048xf32>
      %logistic3A_291 = arith.constant 1.000000e+00 : f32
      %logistic3A_292 = vector.broadcast %logistic3A_291 : f32 to vector<128x2048xf32>
      %logistic3A_293 = arith.addf %logistic3A_292, %logistic3A_290 : vector<128x2048xf32>
      %logistic3A_294 = arith.divf %logistic3A_292, %logistic3A_293 : vector<128x2048xf32>
      %mul3A_295 = arith.mulf %add3A_288, %logistic3A_294 : vector<128x2048xf32>
      %reduce_sum3A_296 = arith.constant dense<0.000000e+00> : vector<128xf32>
      %reduce_sum3A_297 = vector.multi_reduction <add>, %mul3A_295, %reduce_sum3A_296 [1] : vector<128x2048xf32> to vector<128xf32>
      %broadcast_in_dim3A_298 = vector.shape_cast %reduce_sum3A_297 : vector<128xf32> to vector<128x1xf32>
      %div3A_299 = arith.constant 2.048000e+03 : f32
      %div3A_300 = vector.broadcast %div3A_299 : f32 to vector<128x1xf32>
      %div3A_301 = arith.divf %broadcast_in_dim3A_298, %div3A_300 : vector<128x1xf32>
      %sub3A_302 = vector.broadcast %div3A_301 : vector<128x1xf32> to vector<128x2048xf32>
      %sub3A_303 = arith.subf %mul3A_295, %sub3A_302 : vector<128x2048xf32>
      %integer_pow3A_304 = arith.mulf %sub3A_303, %sub3A_303 : vector<128x2048xf32>
      %reduce_sum3A_305 = arith.constant dense<0.000000e+00> : vector<128xf32>
      %reduce_sum3A_306 = vector.multi_reduction <add>, %integer_pow3A_304, %reduce_sum3A_305 [1] : vector<128x2048xf32> to vector<128xf32>
      %broadcast_in_dim3A_307 = vector.shape_cast %reduce_sum3A_306 : vector<128xf32> to vector<128x1xf32>
      %div3A_308 = arith.constant 2.048000e+03 : f32
      %div3A_309 = vector.broadcast %div3A_308 : f32 to vector<128x1xf32>
      %div3A_310 = arith.divf %broadcast_in_dim3A_307, %div3A_309 : vector<128x1xf32>
      %sub3A_311 = vector.broadcast %div3A_301 : vector<128x1xf32> to vector<128x2048xf32>
      %sub3A_312 = arith.subf %mul3A_295, %sub3A_311 : vector<128x2048xf32>
      %add3A_313 = arith.constant 9.99999974E-6 : f32
      %add3A_314 = vector.broadcast %add3A_313 : f32 to vector<128x1xf32>
      %add3A_315 = arith.addf %div3A_310, %add3A_314 : vector<128x1xf32>
      %rsqrt3A_316 = math.rsqrt %add3A_315 : vector<128x1xf32>
      %mul3A_317 = vector.broadcast %rsqrt3A_316 : vector<128x1xf32> to vector<128x2048xf32>
      %mul3A_318 = arith.mulf %sub3A_312, %mul3A_317 : vector<128x2048xf32>
      %mul3A_319 = vector.broadcast %get3A_31 : vector<1x2048xf32> to vector<128x2048xf32>
      %mul3A_320 = arith.mulf %mul3A_318, %mul3A_319 : vector<128x2048xf32>
      %add3A_321 = vector.broadcast %get3A_36 : vector<1x2048xf32> to vector<128x2048xf32>
      %add3A_322 = arith.addf %mul3A_320, %add3A_321 : vector<128x2048xf32>
      %convert_element_type3A_323 = arith.truncf %add3A_283 : vector<128x2048xf32> to vector<128x2048xbf16>
      %dot_general3A_324 = arith.constant dense<0.000000e+00> : vector<128x2048xf32>
      %dot_general3A_325 = tpu.matmul %convert_element_type3A_323, %get3A_61, %dot_general3A_324 {dimension_numbers = #tpu.dot_dimension_numbers<[1], [0], [0], [1], [0, 0, 1, 1], [], []>, transpose_lhs_hint = false} : vector<128x2048xbf16>, vector<2048x2048xbf16>, vector<128x2048xf32> -> vector<128x2048xf32>
      %add3A_326 = vector.broadcast %get3A_41 : vector<1x2048xf32> to vector<128x2048xf32>
      %add3A_327 = arith.addf %dot_general3A_325, %add3A_326 : vector<128x2048xf32>
      %logistic3A_328 = arith.negf %add3A_327 : vector<128x2048xf32>
      %logistic3A_329 = math.exp %logistic3A_328 : vector<128x2048xf32>
      %logistic3A_330 = arith.constant 1.000000e+00 : f32
      %logistic3A_331 = vector.broadcast %logistic3A_330 : f32 to vector<128x2048xf32>
      %logistic3A_332 = arith.addf %logistic3A_331, %logistic3A_329 : vector<128x2048xf32>
      %logistic3A_333 = arith.divf %logistic3A_331, %logistic3A_332 : vector<128x2048xf32>
      %mul3A_334 = arith.mulf %add3A_327, %logistic3A_333 : vector<128x2048xf32>
      %reduce_sum3A_335 = arith.constant dense<0.000000e+00> : vector<128xf32>
      %reduce_sum3A_336 = vector.multi_reduction <add>, %mul3A_334, %reduce_sum3A_335 [1] : vector<128x2048xf32> to vector<128xf32>
      %broadcast_in_dim3A_337 = vector.shape_cast %reduce_sum3A_336 : vector<128xf32> to vector<128x1xf32>
      %div3A_338 = arith.constant 2.048000e+03 : f32
      %div3A_339 = vector.broadcast %div3A_338 : f32 to vector<128x1xf32>
      %div3A_340 = arith.divf %broadcast_in_dim3A_337, %div3A_339 : vector<128x1xf32>
      %sub3A_341 = vector.broadcast %div3A_340 : vector<128x1xf32> to vector<128x2048xf32>
      %sub3A_342 = arith.subf %mul3A_334, %sub3A_341 : vector<128x2048xf32>
      %integer_pow3A_343 = arith.mulf %sub3A_342, %sub3A_342 : vector<128x2048xf32>
      %reduce_sum3A_344 = arith.constant dense<0.000000e+00> : vector<128xf32>
      %reduce_sum3A_345 = vector.multi_reduction <add>, %integer_pow3A_343, %reduce_sum3A_344 [1] : vector<128x2048xf32> to vector<128xf32>
      %broadcast_in_dim3A_346 = vector.shape_cast %reduce_sum3A_345 : vector<128xf32> to vector<128x1xf32>
      %div3A_347 = arith.constant 2.048000e+03 : f32
      %div3A_348 = vector.broadcast %div3A_347 : f32 to vector<128x1xf32>
      %div3A_349 = arith.divf %broadcast_in_dim3A_346, %div3A_348 : vector<128x1xf32>
      %sub3A_350 = vector.broadcast %div3A_340 : vector<128x1xf32> to vector<128x2048xf32>
      %sub3A_351 = arith.subf %mul3A_334, %sub3A_350 : vector<128x2048xf32>
      %add3A_352 = arith.constant 9.99999974E-6 : f32
      %add3A_353 = vector.broadcast %add3A_352 : f32 to vector<128x1xf32>
      %add3A_354 = arith.addf %div3A_349, %add3A_353 : vector<128x1xf32>
      %rsqrt3A_355 = math.rsqrt %add3A_354 : vector<128x1xf32>
      %mul3A_356 = vector.broadcast %rsqrt3A_355 : vector<128x1xf32> to vector<128x2048xf32>
      %mul3A_357 = arith.mulf %sub3A_351, %mul3A_356 : vector<128x2048xf32>
      %mul3A_358 = vector.broadcast %get3A_46 : vector<1x2048xf32> to vector<128x2048xf32>
      %mul3A_359 = arith.mulf %mul3A_357, %mul3A_358 : vector<128x2048xf32>
      %add3A_360 = vector.broadcast %get3A_51 : vector<1x2048xf32> to vector<128x2048xf32>
      %add3A_361 = arith.addf %mul3A_359, %add3A_360 : vector<128x2048xf32>
      %convert_element_type3A_362 = arith.truncf %add3A_322 : vector<128x2048xf32> to vector<128x2048xbf16>
      %dot_general3A_363 = arith.constant dense<0.000000e+00> : vector<128x2048xf32>
      %dot_general3A_364 = tpu.matmul %convert_element_type3A_362, %get3A_61, %dot_general3A_363 {dimension_numbers = #tpu.dot_dimension_numbers<[1], [0], [0], [1], [0, 0, 1, 1], [], []>, transpose_lhs_hint = false} : vector<128x2048xbf16>, vector<2048x2048xbf16>, vector<128x2048xf32> -> vector<128x2048xf32>
      %add3A_365 = vector.broadcast %get3A_41 : vector<1x2048xf32> to vector<128x2048xf32>
      %add3A_366 = arith.addf %dot_general3A_364, %add3A_365 : vector<128x2048xf32>
      %logistic3A_367 = arith.negf %add3A_366 : vector<128x2048xf32>
      %logistic3A_368 = math.exp %logistic3A_367 : vector<128x2048xf32>
      %logistic3A_369 = arith.constant 1.000000e+00 : f32
      %logistic3A_370 = vector.broadcast %logistic3A_369 : f32 to vector<128x2048xf32>
      %logistic3A_371 = arith.addf %logistic3A_370, %logistic3A_368 : vector<128x2048xf32>
      %logistic3A_372 = arith.divf %logistic3A_370, %logistic3A_371 : vector<128x2048xf32>
      %mul3A_373 = arith.mulf %add3A_366, %logistic3A_372 : vector<128x2048xf32>
      %reduce_sum3A_374 = arith.constant dense<0.000000e+00> : vector<128xf32>
      %reduce_sum3A_375 = vector.multi_reduction <add>, %mul3A_373, %reduce_sum3A_374 [1] : vector<128x2048xf32> to vector<128xf32>
      %broadcast_in_dim3A_376 = vector.shape_cast %reduce_sum3A_375 : vector<128xf32> to vector<128x1xf32>
      %div3A_377 = arith.constant 2.048000e+03 : f32
      %div3A_378 = vector.broadcast %div3A_377 : f32 to vector<128x1xf32>
      %div3A_379 = arith.divf %broadcast_in_dim3A_376, %div3A_378 : vector<128x1xf32>
      %sub3A_380 = vector.broadcast %div3A_379 : vector<128x1xf32> to vector<128x2048xf32>
      %sub3A_381 = arith.subf %mul3A_373, %sub3A_380 : vector<128x2048xf32>
      %integer_pow3A_382 = arith.mulf %sub3A_381, %sub3A_381 : vector<128x2048xf32>
      %reduce_sum3A_383 = arith.constant dense<0.000000e+00> : vector<128xf32>
      %reduce_sum3A_384 = vector.multi_reduction <add>, %integer_pow3A_382, %reduce_sum3A_383 [1] : vector<128x2048xf32> to vector<128xf32>
      %broadcast_in_dim3A_385 = vector.shape_cast %reduce_sum3A_384 : vector<128xf32> to vector<128x1xf32>
      %div3A_386 = arith.constant 2.048000e+03 : f32
      %div3A_387 = vector.broadcast %div3A_386 : f32 to vector<128x1xf32>
      %div3A_388 = arith.divf %broadcast_in_dim3A_385, %div3A_387 : vector<128x1xf32>
      %sub3A_389 = vector.broadcast %div3A_379 : vector<128x1xf32> to vector<128x2048xf32>
      %sub3A_390 = arith.subf %mul3A_373, %sub3A_389 : vector<128x2048xf32>
      %add3A_391 = arith.constant 9.99999974E-6 : f32
      %add3A_392 = vector.broadcast %add3A_391 : f32 to vector<128x1xf32>
      %add3A_393 = arith.addf %div3A_388, %add3A_392 : vector<128x1xf32>
      %rsqrt3A_394 = math.rsqrt %add3A_393 : vector<128x1xf32>
      %mul3A_395 = vector.broadcast %rsqrt3A_394 : vector<128x1xf32> to vector<128x2048xf32>
      %mul3A_396 = arith.mulf %sub3A_390, %mul3A_395 : vector<128x2048xf32>
      %mul3A_397 = vector.broadcast %get3A_46 : vector<1x2048xf32> to vector<128x2048xf32>
      %mul3A_398 = arith.mulf %mul3A_396, %mul3A_397 : vector<128x2048xf32>
      %add3A_399 = vector.broadcast %get3A_51 : vector<1x2048xf32> to vector<128x2048xf32>
      %add3A_400 = arith.addf %mul3A_398, %add3A_399 : vector<128x2048xf32>
      %convert_element_type3A_401 = arith.truncf %add3A_361 : vector<128x2048xf32> to vector<128x2048xbf16>
      %dot_general3A_402 = arith.constant dense<0.000000e+00> : vector<128x1024xf32>
      %dot_general3A_403 = tpu.matmul %convert_element_type3A_401, %get3A_66, %dot_general3A_402 {dimension_numbers = #tpu.dot_dimension_numbers<[1], [0], [0], [1], [0, 0, 1, 1], [], []>, transpose_lhs_hint = false} : vector<128x2048xbf16>, vector<2048x1024xbf16>, vector<128x1024xf32> -> vector<128x1024xf32>
      %add3A_404 = vector.broadcast %get3A_56 : vector<1x1024xf32> to vector<128x1024xf32>
      %add3A_405 = arith.addf %dot_general3A_403, %add3A_404 : vector<128x1024xf32>
      %mul3A_406 = arith.constant 2.500000e-01 : f32
      %mul3A_407 = vector.broadcast %mul3A_406 : f32 to vector<128x1024xf32>
      %mul3A_408 = arith.mulf %add3A_405, %mul3A_407 : vector<128x1024xf32>
      %add3A_409 = arith.addf %add3A_233, %mul3A_408 : vector<128x1024xf32>
      %convert_element_type3A_410 = arith.truncf %add3A_400 : vector<128x2048xf32> to vector<128x2048xbf16>
      %dot_general3A_411 = arith.constant dense<0.000000e+00> : vector<128x1024xf32>
      %dot_general3A_412 = tpu.matmul %convert_element_type3A_410, %get3A_66, %dot_general3A_411 {dimension_numbers = #tpu.dot_dimension_numbers<[1], [0], [0], [1], [0, 0, 1, 1], [], []>, transpose_lhs_hint = false} : vector<128x2048xbf16>, vector<2048x1024xbf16>, vector<128x1024xf32> -> vector<128x1024xf32>
      %add3A_413 = vector.broadcast %get3A_56 : vector<1x1024xf32> to vector<128x1024xf32>
      %add3A_414 = arith.addf %dot_general3A_412, %add3A_413 : vector<128x1024xf32>
      %mul3A_415 = arith.constant 2.500000e-01 : f32
      %mul3A_416 = vector.broadcast %mul3A_415 : f32 to vector<128x1024xf32>
      %mul3A_417 = arith.mulf %add3A_414, %mul3A_416 : vector<128x1024xf32>
      %add3A_418 = arith.addf %add3A_242, %mul3A_417 : vector<128x1024xf32>
      %slice3A_419 = vector.extract_strided_slice %dot_general3A_73 {offsets = [2, 0], sizes = [1, 2048], strides = [1, 1]} : vector<4x2048xf32> to vector<1x2048xf32>
      %add3A_420 = arith.addf %slice3A_419, %get3A_26 : vector<1x2048xf32>
      %convert_element_type3A_421 = arith.truncf %add3A_409 : vector<128x1024xf32> to vector<128x1024xbf16>
      %dot_general3A_422 = arith.constant dense<0.000000e+00> : vector<128x2048xf32>
      %dot_general3A_423 = tpu.matmul %convert_element_type3A_421, %slice3A, %dot_general3A_422 {dimension_numbers = #tpu.dot_dimension_numbers<[1], [0], [0], [1], [0, 0, 1, 1], [], []>, transpose_lhs_hint = false} : vector<128x1024xbf16>, vector<1024x2048xbf16>, vector<128x2048xf32> -> vector<128x2048xf32>
      %add3A_424 = vector.broadcast %add3A_420 : vector<1x2048xf32> to vector<128x2048xf32>
      %add3A_425 = arith.addf %dot_general3A_423, %add3A_424 : vector<128x2048xf32>
      %logistic3A_426 = arith.negf %add3A_425 : vector<128x2048xf32>
      %logistic3A_427 = math.exp %logistic3A_426 : vector<128x2048xf32>
      %logistic3A_428 = arith.constant 1.000000e+00 : f32
      %logistic3A_429 = vector.broadcast %logistic3A_428 : f32 to vector<128x2048xf32>
      %logistic3A_430 = arith.addf %logistic3A_429, %logistic3A_427 : vector<128x2048xf32>
      %logistic3A_431 = arith.divf %logistic3A_429, %logistic3A_430 : vector<128x2048xf32>
      %mul3A_432 = arith.mulf %add3A_425, %logistic3A_431 : vector<128x2048xf32>
      %reduce_sum3A_433 = arith.constant dense<0.000000e+00> : vector<128xf32>
      %reduce_sum3A_434 = vector.multi_reduction <add>, %mul3A_432, %reduce_sum3A_433 [1] : vector<128x2048xf32> to vector<128xf32>
      %broadcast_in_dim3A_435 = vector.shape_cast %reduce_sum3A_434 : vector<128xf32> to vector<128x1xf32>
      %div3A_436 = arith.constant 2.048000e+03 : f32
      %div3A_437 = vector.broadcast %div3A_436 : f32 to vector<128x1xf32>
      %div3A_438 = arith.divf %broadcast_in_dim3A_435, %div3A_437 : vector<128x1xf32>
      %sub3A_439 = vector.broadcast %div3A_438 : vector<128x1xf32> to vector<128x2048xf32>
      %sub3A_440 = arith.subf %mul3A_432, %sub3A_439 : vector<128x2048xf32>
      %integer_pow3A_441 = arith.mulf %sub3A_440, %sub3A_440 : vector<128x2048xf32>
      %reduce_sum3A_442 = arith.constant dense<0.000000e+00> : vector<128xf32>
      %reduce_sum3A_443 = vector.multi_reduction <add>, %integer_pow3A_441, %reduce_sum3A_442 [1] : vector<128x2048xf32> to vector<128xf32>
      %broadcast_in_dim3A_444 = vector.shape_cast %reduce_sum3A_443 : vector<128xf32> to vector<128x1xf32>
      %div3A_445 = arith.constant 2.048000e+03 : f32
      %div3A_446 = vector.broadcast %div3A_445 : f32 to vector<128x1xf32>
      %div3A_447 = arith.divf %broadcast_in_dim3A_444, %div3A_446 : vector<128x1xf32>
      %sub3A_448 = vector.broadcast %div3A_438 : vector<128x1xf32> to vector<128x2048xf32>
      %sub3A_449 = arith.subf %mul3A_432, %sub3A_448 : vector<128x2048xf32>
      %add3A_450 = arith.constant 9.99999974E-6 : f32
      %add3A_451 = vector.broadcast %add3A_450 : f32 to vector<128x1xf32>
      %add3A_452 = arith.addf %div3A_447, %add3A_451 : vector<128x1xf32>
      %rsqrt3A_453 = math.rsqrt %add3A_452 : vector<128x1xf32>
      %mul3A_454 = vector.broadcast %rsqrt3A_453 : vector<128x1xf32> to vector<128x2048xf32>
      %mul3A_455 = arith.mulf %sub3A_449, %mul3A_454 : vector<128x2048xf32>
      %mul3A_456 = vector.broadcast %get3A_31 : vector<1x2048xf32> to vector<128x2048xf32>
      %mul3A_457 = arith.mulf %mul3A_455, %mul3A_456 : vector<128x2048xf32>
      %add3A_458 = vector.broadcast %get3A_36 : vector<1x2048xf32> to vector<128x2048xf32>
      %add3A_459 = arith.addf %mul3A_457, %add3A_458 : vector<128x2048xf32>
      %convert_element_type3A_460 = arith.truncf %add3A_418 : vector<128x1024xf32> to vector<128x1024xbf16>
      %dot_general3A_461 = arith.constant dense<0.000000e+00> : vector<128x2048xf32>
      %dot_general3A_462 = tpu.matmul %convert_element_type3A_460, %slice3A, %dot_general3A_461 {dimension_numbers = #tpu.dot_dimension_numbers<[1], [0], [0], [1], [0, 0, 1, 1], [], []>, transpose_lhs_hint = false} : vector<128x1024xbf16>, vector<1024x2048xbf16>, vector<128x2048xf32> -> vector<128x2048xf32>
      %add3A_463 = vector.broadcast %add3A_420 : vector<1x2048xf32> to vector<128x2048xf32>
      %add3A_464 = arith.addf %dot_general3A_462, %add3A_463 : vector<128x2048xf32>
      %logistic3A_465 = arith.negf %add3A_464 : vector<128x2048xf32>
      %logistic3A_466 = math.exp %logistic3A_465 : vector<128x2048xf32>
      %logistic3A_467 = arith.constant 1.000000e+00 : f32
      %logistic3A_468 = vector.broadcast %logistic3A_467 : f32 to vector<128x2048xf32>
      %logistic3A_469 = arith.addf %logistic3A_468, %logistic3A_466 : vector<128x2048xf32>
      %logistic3A_470 = arith.divf %logistic3A_468, %logistic3A_469 : vector<128x2048xf32>
      %mul3A_471 = arith.mulf %add3A_464, %logistic3A_470 : vector<128x2048xf32>
      %reduce_sum3A_472 = arith.constant dense<0.000000e+00> : vector<128xf32>
      %reduce_sum3A_473 = vector.multi_reduction <add>, %mul3A_471, %reduce_sum3A_472 [1] : vector<128x2048xf32> to vector<128xf32>
      %broadcast_in_dim3A_474 = vector.shape_cast %reduce_sum3A_473 : vector<128xf32> to vector<128x1xf32>
      %div3A_475 = arith.constant 2.048000e+03 : f32
      %div3A_476 = vector.broadcast %div3A_475 : f32 to vector<128x1xf32>
      %div3A_477 = arith.divf %broadcast_in_dim3A_474, %div3A_476 : vector<128x1xf32>
      %sub3A_478 = vector.broadcast %div3A_477 : vector<128x1xf32> to vector<128x2048xf32>
      %sub3A_479 = arith.subf %mul3A_471, %sub3A_478 : vector<128x2048xf32>
      %integer_pow3A_480 = arith.mulf %sub3A_479, %sub3A_479 : vector<128x2048xf32>
      %reduce_sum3A_481 = arith.constant dense<0.000000e+00> : vector<128xf32>
      %reduce_sum3A_482 = vector.multi_reduction <add>, %integer_pow3A_480, %reduce_sum3A_481 [1] : vector<128x2048xf32> to vector<128xf32>
      %broadcast_in_dim3A_483 = vector.shape_cast %reduce_sum3A_482 : vector<128xf32> to vector<128x1xf32>
      %div3A_484 = arith.constant 2.048000e+03 : f32
      %div3A_485 = vector.broadcast %div3A_484 : f32 to vector<128x1xf32>
      %div3A_486 = arith.divf %broadcast_in_dim3A_483, %div3A_485 : vector<128x1xf32>
      %sub3A_487 = vector.broadcast %div3A_477 : vector<128x1xf32> to vector<128x2048xf32>
      %sub3A_488 = arith.subf %mul3A_471, %sub3A_487 : vector<128x2048xf32>
      %add3A_489 = arith.constant 9.99999974E-6 : f32
      %add3A_490 = vector.broadcast %add3A_489 : f32 to vector<128x1xf32>
      %add3A_491 = arith.addf %div3A_486, %add3A_490 : vector<128x1xf32>
      %rsqrt3A_492 = math.rsqrt %add3A_491 : vector<128x1xf32>
      %mul3A_493 = vector.broadcast %rsqrt3A_492 : vector<128x1xf32> to vector<128x2048xf32>
      %mul3A_494 = arith.mulf %sub3A_488, %mul3A_493 : vector<128x2048xf32>
      %mul3A_495 = vector.broadcast %get3A_31 : vector<1x2048xf32> to vector<128x2048xf32>
      %mul3A_496 = arith.mulf %mul3A_494, %mul3A_495 : vector<128x2048xf32>
      %add3A_497 = vector.broadcast %get3A_36 : vector<1x2048xf32> to vector<128x2048xf32>
      %add3A_498 = arith.addf %mul3A_496, %add3A_497 : vector<128x2048xf32>
      %convert_element_type3A_499 = arith.truncf %add3A_459 : vector<128x2048xf32> to vector<128x2048xbf16>
      %dot_general3A_500 = arith.constant dense<0.000000e+00> : vector<128x2048xf32>
      %dot_general3A_501 = tpu.matmul %convert_element_type3A_499, %get3A_61, %dot_general3A_500 {dimension_numbers = #tpu.dot_dimension_numbers<[1], [0], [0], [1], [0, 0, 1, 1], [], []>, transpose_lhs_hint = false} : vector<128x2048xbf16>, vector<2048x2048xbf16>, vector<128x2048xf32> -> vector<128x2048xf32>
      %add3A_502 = vector.broadcast %get3A_41 : vector<1x2048xf32> to vector<128x2048xf32>
      %add3A_503 = arith.addf %dot_general3A_501, %add3A_502 : vector<128x2048xf32>
      %logistic3A_504 = arith.negf %add3A_503 : vector<128x2048xf32>
      %logistic3A_505 = math.exp %logistic3A_504 : vector<128x2048xf32>
      %logistic3A_506 = arith.constant 1.000000e+00 : f32
      %logistic3A_507 = vector.broadcast %logistic3A_506 : f32 to vector<128x2048xf32>
      %logistic3A_508 = arith.addf %logistic3A_507, %logistic3A_505 : vector<128x2048xf32>
      %logistic3A_509 = arith.divf %logistic3A_507, %logistic3A_508 : vector<128x2048xf32>
      %mul3A_510 = arith.mulf %add3A_503, %logistic3A_509 : vector<128x2048xf32>
      %reduce_sum3A_511 = arith.constant dense<0.000000e+00> : vector<128xf32>
      %reduce_sum3A_512 = vector.multi_reduction <add>, %mul3A_510, %reduce_sum3A_511 [1] : vector<128x2048xf32> to vector<128xf32>
      %broadcast_in_dim3A_513 = vector.shape_cast %reduce_sum3A_512 : vector<128xf32> to vector<128x1xf32>
      %div3A_514 = arith.constant 2.048000e+03 : f32
      %div3A_515 = vector.broadcast %div3A_514 : f32 to vector<128x1xf32>
      %div3A_516 = arith.divf %broadcast_in_dim3A_513, %div3A_515 : vector<128x1xf32>
      %sub3A_517 = vector.broadcast %div3A_516 : vector<128x1xf32> to vector<128x2048xf32>
      %sub3A_518 = arith.subf %mul3A_510, %sub3A_517 : vector<128x2048xf32>
      %integer_pow3A_519 = arith.mulf %sub3A_518, %sub3A_518 : vector<128x2048xf32>
      %reduce_sum3A_520 = arith.constant dense<0.000000e+00> : vector<128xf32>
      %reduce_sum3A_521 = vector.multi_reduction <add>, %integer_pow3A_519, %reduce_sum3A_520 [1] : vector<128x2048xf32> to vector<128xf32>
      %broadcast_in_dim3A_522 = vector.shape_cast %reduce_sum3A_521 : vector<128xf32> to vector<128x1xf32>
      %div3A_523 = arith.constant 2.048000e+03 : f32
      %div3A_524 = vector.broadcast %div3A_523 : f32 to vector<128x1xf32>
      %div3A_525 = arith.divf %broadcast_in_dim3A_522, %div3A_524 : vector<128x1xf32>
      %sub3A_526 = vector.broadcast %div3A_516 : vector<128x1xf32> to vector<128x2048xf32>
      %sub3A_527 = arith.subf %mul3A_510, %sub3A_526 : vector<128x2048xf32>
      %add3A_528 = arith.constant 9.99999974E-6 : f32
      %add3A_529 = vector.broadcast %add3A_528 : f32 to vector<128x1xf32>
      %add3A_530 = arith.addf %div3A_525, %add3A_529 : vector<128x1xf32>
      %rsqrt3A_531 = math.rsqrt %add3A_530 : vector<128x1xf32>
      %mul3A_532 = vector.broadcast %rsqrt3A_531 : vector<128x1xf32> to vector<128x2048xf32>
      %mul3A_533 = arith.mulf %sub3A_527, %mul3A_532 : vector<128x2048xf32>
      %mul3A_534 = vector.broadcast %get3A_46 : vector<1x2048xf32> to vector<128x2048xf32>
      %mul3A_535 = arith.mulf %mul3A_533, %mul3A_534 : vector<128x2048xf32>
      %add3A_536 = vector.broadcast %get3A_51 : vector<1x2048xf32> to vector<128x2048xf32>
      %add3A_537 = arith.addf %mul3A_535, %add3A_536 : vector<128x2048xf32>
      %convert_element_type3A_538 = arith.truncf %add3A_498 : vector<128x2048xf32> to vector<128x2048xbf16>
      %dot_general3A_539 = arith.constant dense<0.000000e+00> : vector<128x2048xf32>
      %dot_general3A_540 = tpu.matmul %convert_element_type3A_538, %get3A_61, %dot_general3A_539 {dimension_numbers = #tpu.dot_dimension_numbers<[1], [0], [0], [1], [0, 0, 1, 1], [], []>, transpose_lhs_hint = false} : vector<128x2048xbf16>, vector<2048x2048xbf16>, vector<128x2048xf32> -> vector<128x2048xf32>
      %add3A_541 = vector.broadcast %get3A_41 : vector<1x2048xf32> to vector<128x2048xf32>
      %add3A_542 = arith.addf %dot_general3A_540, %add3A_541 : vector<128x2048xf32>
      %logistic3A_543 = arith.negf %add3A_542 : vector<128x2048xf32>
      %logistic3A_544 = math.exp %logistic3A_543 : vector<128x2048xf32>
      %logistic3A_545 = arith.constant 1.000000e+00 : f32
      %logistic3A_546 = vector.broadcast %logistic3A_545 : f32 to vector<128x2048xf32>
      %logistic3A_547 = arith.addf %logistic3A_546, %logistic3A_544 : vector<128x2048xf32>
      %logistic3A_548 = arith.divf %logistic3A_546, %logistic3A_547 : vector<128x2048xf32>
      %mul3A_549 = arith.mulf %add3A_542, %logistic3A_548 : vector<128x2048xf32>
      %reduce_sum3A_550 = arith.constant dense<0.000000e+00> : vector<128xf32>
      %reduce_sum3A_551 = vector.multi_reduction <add>, %mul3A_549, %reduce_sum3A_550 [1] : vector<128x2048xf32> to vector<128xf32>
      %broadcast_in_dim3A_552 = vector.shape_cast %reduce_sum3A_551 : vector<128xf32> to vector<128x1xf32>
      %div3A_553 = arith.constant 2.048000e+03 : f32
      %div3A_554 = vector.broadcast %div3A_553 : f32 to vector<128x1xf32>
      %div3A_555 = arith.divf %broadcast_in_dim3A_552, %div3A_554 : vector<128x1xf32>
      %sub3A_556 = vector.broadcast %div3A_555 : vector<128x1xf32> to vector<128x2048xf32>
      %sub3A_557 = arith.subf %mul3A_549, %sub3A_556 : vector<128x2048xf32>
      %integer_pow3A_558 = arith.mulf %sub3A_557, %sub3A_557 : vector<128x2048xf32>
      %reduce_sum3A_559 = arith.constant dense<0.000000e+00> : vector<128xf32>
      %reduce_sum3A_560 = vector.multi_reduction <add>, %integer_pow3A_558, %reduce_sum3A_559 [1] : vector<128x2048xf32> to vector<128xf32>
      %broadcast_in_dim3A_561 = vector.shape_cast %reduce_sum3A_560 : vector<128xf32> to vector<128x1xf32>
      %div3A_562 = arith.constant 2.048000e+03 : f32
      %div3A_563 = vector.broadcast %div3A_562 : f32 to vector<128x1xf32>
      %div3A_564 = arith.divf %broadcast_in_dim3A_561, %div3A_563 : vector<128x1xf32>
      %sub3A_565 = vector.broadcast %div3A_555 : vector<128x1xf32> to vector<128x2048xf32>
      %sub3A_566 = arith.subf %mul3A_549, %sub3A_565 : vector<128x2048xf32>
      %add3A_567 = arith.constant 9.99999974E-6 : f32
      %add3A_568 = vector.broadcast %add3A_567 : f32 to vector<128x1xf32>
      %add3A_569 = arith.addf %div3A_564, %add3A_568 : vector<128x1xf32>
      %rsqrt3A_570 = math.rsqrt %add3A_569 : vector<128x1xf32>
      %mul3A_571 = vector.broadcast %rsqrt3A_570 : vector<128x1xf32> to vector<128x2048xf32>
      %mul3A_572 = arith.mulf %sub3A_566, %mul3A_571 : vector<128x2048xf32>
      %mul3A_573 = vector.broadcast %get3A_46 : vector<1x2048xf32> to vector<128x2048xf32>
      %mul3A_574 = arith.mulf %mul3A_572, %mul3A_573 : vector<128x2048xf32>
      %add3A_575 = vector.broadcast %get3A_51 : vector<1x2048xf32> to vector<128x2048xf32>
      %add3A_576 = arith.addf %mul3A_574, %add3A_575 : vector<128x2048xf32>
      %convert_element_type3A_577 = arith.truncf %add3A_537 : vector<128x2048xf32> to vector<128x2048xbf16>
      %dot_general3A_578 = arith.constant dense<0.000000e+00> : vector<128x1024xf32>
      %dot_general3A_579 = tpu.matmul %convert_element_type3A_577, %get3A_66, %dot_general3A_578 {dimension_numbers = #tpu.dot_dimension_numbers<[1], [0], [0], [1], [0, 0, 1, 1], [], []>, transpose_lhs_hint = false} : vector<128x2048xbf16>, vector<2048x1024xbf16>, vector<128x1024xf32> -> vector<128x1024xf32>
      %add3A_580 = vector.broadcast %get3A_56 : vector<1x1024xf32> to vector<128x1024xf32>
      %add3A_581 = arith.addf %dot_general3A_579, %add3A_580 : vector<128x1024xf32>
      %mul3A_582 = arith.constant 2.500000e-01 : f32
      %mul3A_583 = vector.broadcast %mul3A_582 : f32 to vector<128x1024xf32>
      %mul3A_584 = arith.mulf %add3A_581, %mul3A_583 : vector<128x1024xf32>
      %add3A_585 = arith.addf %add3A_409, %mul3A_584 : vector<128x1024xf32>
      %convert_element_type3A_586 = arith.truncf %add3A_576 : vector<128x2048xf32> to vector<128x2048xbf16>
      %dot_general3A_587 = arith.constant dense<0.000000e+00> : vector<128x1024xf32>
      %dot_general3A_588 = tpu.matmul %convert_element_type3A_586, %get3A_66, %dot_general3A_587 {dimension_numbers = #tpu.dot_dimension_numbers<[1], [0], [0], [1], [0, 0, 1, 1], [], []>, transpose_lhs_hint = false} : vector<128x2048xbf16>, vector<2048x1024xbf16>, vector<128x1024xf32> -> vector<128x1024xf32>
      %add3A_589 = vector.broadcast %get3A_56 : vector<1x1024xf32> to vector<128x1024xf32>
      %add3A_590 = arith.addf %dot_general3A_588, %add3A_589 : vector<128x1024xf32>
      %mul3A_591 = arith.constant 2.500000e-01 : f32
      %mul3A_592 = vector.broadcast %mul3A_591 : f32 to vector<128x1024xf32>
      %mul3A_593 = arith.mulf %add3A_590, %mul3A_592 : vector<128x1024xf32>
      %add3A_594 = arith.addf %add3A_418, %mul3A_593 : vector<128x1024xf32>
      %slice3A_595 = vector.extract_strided_slice %dot_general3A_73 {offsets = [3, 0], sizes = [1, 2048], strides = [1, 1]} : vector<4x2048xf32> to vector<1x2048xf32>
      %add3A_596 = arith.addf %slice3A_595, %get3A_26 : vector<1x2048xf32>
      %convert_element_type3A_597 = arith.truncf %add3A_585 : vector<128x1024xf32> to vector<128x1024xbf16>
      %dot_general3A_598 = arith.constant dense<0.000000e+00> : vector<128x2048xf32>
      %dot_general3A_599 = tpu.matmul %convert_element_type3A_597, %slice3A, %dot_general3A_598 {dimension_numbers = #tpu.dot_dimension_numbers<[1], [0], [0], [1], [0, 0, 1, 1], [], []>, transpose_lhs_hint = false} : vector<128x1024xbf16>, vector<1024x2048xbf16>, vector<128x2048xf32> -> vector<128x2048xf32>
      %add3A_600 = vector.broadcast %add3A_596 : vector<1x2048xf32> to vector<128x2048xf32>
      %add3A_601 = arith.addf %dot_general3A_599, %add3A_600 : vector<128x2048xf32>
      %logistic3A_602 = arith.negf %add3A_601 : vector<128x2048xf32>
      %logistic3A_603 = math.exp %logistic3A_602 : vector<128x2048xf32>
      %logistic3A_604 = arith.constant 1.000000e+00 : f32
      %logistic3A_605 = vector.broadcast %logistic3A_604 : f32 to vector<128x2048xf32>
      %logistic3A_606 = arith.addf %logistic3A_605, %logistic3A_603 : vector<128x2048xf32>
      %logistic3A_607 = arith.divf %logistic3A_605, %logistic3A_606 : vector<128x2048xf32>
      %mul3A_608 = arith.mulf %add3A_601, %logistic3A_607 : vector<128x2048xf32>
      %reduce_sum3A_609 = arith.constant dense<0.000000e+00> : vector<128xf32>
      %reduce_sum3A_610 = vector.multi_reduction <add>, %mul3A_608, %reduce_sum3A_609 [1] : vector<128x2048xf32> to vector<128xf32>
      %broadcast_in_dim3A_611 = vector.shape_cast %reduce_sum3A_610 : vector<128xf32> to vector<128x1xf32>
      %div3A_612 = arith.constant 2.048000e+03 : f32
      %div3A_613 = vector.broadcast %div3A_612 : f32 to vector<128x1xf32>
      %div3A_614 = arith.divf %broadcast_in_dim3A_611, %div3A_613 : vector<128x1xf32>
      %sub3A_615 = vector.broadcast %div3A_614 : vector<128x1xf32> to vector<128x2048xf32>
      %sub3A_616 = arith.subf %mul3A_608, %sub3A_615 : vector<128x2048xf32>
      %integer_pow3A_617 = arith.mulf %sub3A_616, %sub3A_616 : vector<128x2048xf32>
      %reduce_sum3A_618 = arith.constant dense<0.000000e+00> : vector<128xf32>
      %reduce_sum3A_619 = vector.multi_reduction <add>, %integer_pow3A_617, %reduce_sum3A_618 [1] : vector<128x2048xf32> to vector<128xf32>
      %broadcast_in_dim3A_620 = vector.shape_cast %reduce_sum3A_619 : vector<128xf32> to vector<128x1xf32>
      %div3A_621 = arith.constant 2.048000e+03 : f32
      %div3A_622 = vector.broadcast %div3A_621 : f32 to vector<128x1xf32>
      %div3A_623 = arith.divf %broadcast_in_dim3A_620, %div3A_622 : vector<128x1xf32>
      %sub3A_624 = vector.broadcast %div3A_614 : vector<128x1xf32> to vector<128x2048xf32>
      %sub3A_625 = arith.subf %mul3A_608, %sub3A_624 : vector<128x2048xf32>
      %add3A_626 = arith.constant 9.99999974E-6 : f32
      %add3A_627 = vector.broadcast %add3A_626 : f32 to vector<128x1xf32>
      %add3A_628 = arith.addf %div3A_623, %add3A_627 : vector<128x1xf32>
      %rsqrt3A_629 = math.rsqrt %add3A_628 : vector<128x1xf32>
      %mul3A_630 = vector.broadcast %rsqrt3A_629 : vector<128x1xf32> to vector<128x2048xf32>
      %mul3A_631 = arith.mulf %sub3A_625, %mul3A_630 : vector<128x2048xf32>
      %mul3A_632 = vector.broadcast %get3A_31 : vector<1x2048xf32> to vector<128x2048xf32>
      %mul3A_633 = arith.mulf %mul3A_631, %mul3A_632 : vector<128x2048xf32>
      %add3A_634 = vector.broadcast %get3A_36 : vector<1x2048xf32> to vector<128x2048xf32>
      %add3A_635 = arith.addf %mul3A_633, %add3A_634 : vector<128x2048xf32>
      %convert_element_type3A_636 = arith.truncf %add3A_594 : vector<128x1024xf32> to vector<128x1024xbf16>
      %dot_general3A_637 = arith.constant dense<0.000000e+00> : vector<128x2048xf32>
      %dot_general3A_638 = tpu.matmul %convert_element_type3A_636, %slice3A, %dot_general3A_637 {dimension_numbers = #tpu.dot_dimension_numbers<[1], [0], [0], [1], [0, 0, 1, 1], [], []>, transpose_lhs_hint = false} : vector<128x1024xbf16>, vector<1024x2048xbf16>, vector<128x2048xf32> -> vector<128x2048xf32>
      %add3A_639 = vector.broadcast %add3A_596 : vector<1x2048xf32> to vector<128x2048xf32>
      %add3A_640 = arith.addf %dot_general3A_638, %add3A_639 : vector<128x2048xf32>
      %logistic3A_641 = arith.negf %add3A_640 : vector<128x2048xf32>
      %logistic3A_642 = math.exp %logistic3A_641 : vector<128x2048xf32>
      %logistic3A_643 = arith.constant 1.000000e+00 : f32
      %logistic3A_644 = vector.broadcast %logistic3A_643 : f32 to vector<128x2048xf32>
      %logistic3A_645 = arith.addf %logistic3A_644, %logistic3A_642 : vector<128x2048xf32>
      %logistic3A_646 = arith.divf %logistic3A_644, %logistic3A_645 : vector<128x2048xf32>
      %mul3A_647 = arith.mulf %add3A_640, %logistic3A_646 : vector<128x2048xf32>
      %reduce_sum3A_648 = arith.constant dense<0.000000e+00> : vector<128xf32>
      %reduce_sum3A_649 = vector.multi_reduction <add>, %mul3A_647, %reduce_sum3A_648 [1] : vector<128x2048xf32> to vector<128xf32>
      %broadcast_in_dim3A_650 = vector.shape_cast %reduce_sum3A_649 : vector<128xf32> to vector<128x1xf32>
      %div3A_651 = arith.constant 2.048000e+03 : f32
      %div3A_652 = vector.broadcast %div3A_651 : f32 to vector<128x1xf32>
      %div3A_653 = arith.divf %broadcast_in_dim3A_650, %div3A_652 : vector<128x1xf32>
      %sub3A_654 = vector.broadcast %div3A_653 : vector<128x1xf32> to vector<128x2048xf32>
      %sub3A_655 = arith.subf %mul3A_647, %sub3A_654 : vector<128x2048xf32>
      %integer_pow3A_656 = arith.mulf %sub3A_655, %sub3A_655 : vector<128x2048xf32>
      %reduce_sum3A_657 = arith.constant dense<0.000000e+00> : vector<128xf32>
      %reduce_sum3A_658 = vector.multi_reduction <add>, %integer_pow3A_656, %reduce_sum3A_657 [1] : vector<128x2048xf32> to vector<128xf32>
      %broadcast_in_dim3A_659 = vector.shape_cast %reduce_sum3A_658 : vector<128xf32> to vector<128x1xf32>
      %div3A_660 = arith.constant 2.048000e+03 : f32
      %div3A_661 = vector.broadcast %div3A_660 : f32 to vector<128x1xf32>
      %div3A_662 = arith.divf %broadcast_in_dim3A_659, %div3A_661 : vector<128x1xf32>
      %sub3A_663 = vector.broadcast %div3A_653 : vector<128x1xf32> to vector<128x2048xf32>
      %sub3A_664 = arith.subf %mul3A_647, %sub3A_663 : vector<128x2048xf32>
      %add3A_665 = arith.constant 9.99999974E-6 : f32
      %add3A_666 = vector.broadcast %add3A_665 : f32 to vector<128x1xf32>
      %add3A_667 = arith.addf %div3A_662, %add3A_666 : vector<128x1xf32>
      %rsqrt3A_668 = math.rsqrt %add3A_667 : vector<128x1xf32>
      %mul3A_669 = vector.broadcast %rsqrt3A_668 : vector<128x1xf32> to vector<128x2048xf32>
      %mul3A_670 = arith.mulf %sub3A_664, %mul3A_669 : vector<128x2048xf32>
      %mul3A_671 = vector.broadcast %get3A_31 : vector<1x2048xf32> to vector<128x2048xf32>
      %mul3A_672 = arith.mulf %mul3A_670, %mul3A_671 : vector<128x2048xf32>
      %add3A_673 = vector.broadcast %get3A_36 : vector<1x2048xf32> to vector<128x2048xf32>
      %add3A_674 = arith.addf %mul3A_672, %add3A_673 : vector<128x2048xf32>
      %convert_element_type3A_675 = arith.truncf %add3A_635 : vector<128x2048xf32> to vector<128x2048xbf16>
      %dot_general3A_676 = arith.constant dense<0.000000e+00> : vector<128x2048xf32>
      %dot_general3A_677 = tpu.matmul %convert_element_type3A_675, %get3A_61, %dot_general3A_676 {dimension_numbers = #tpu.dot_dimension_numbers<[1], [0], [0], [1], [0, 0, 1, 1], [], []>, transpose_lhs_hint = false} : vector<128x2048xbf16>, vector<2048x2048xbf16>, vector<128x2048xf32> -> vector<128x2048xf32>
      %add3A_678 = vector.broadcast %get3A_41 : vector<1x2048xf32> to vector<128x2048xf32>
      %add3A_679 = arith.addf %dot_general3A_677, %add3A_678 : vector<128x2048xf32>
      %logistic3A_680 = arith.negf %add3A_679 : vector<128x2048xf32>
      %logistic3A_681 = math.exp %logistic3A_680 : vector<128x2048xf32>
      %logistic3A_682 = arith.constant 1.000000e+00 : f32
      %logistic3A_683 = vector.broadcast %logistic3A_682 : f32 to vector<128x2048xf32>
      %logistic3A_684 = arith.addf %logistic3A_683, %logistic3A_681 : vector<128x2048xf32>
      %logistic3A_685 = arith.divf %logistic3A_683, %logistic3A_684 : vector<128x2048xf32>
      %mul3A_686 = arith.mulf %add3A_679, %logistic3A_685 : vector<128x2048xf32>
      %reduce_sum3A_687 = arith.constant dense<0.000000e+00> : vector<128xf32>
      %reduce_sum3A_688 = vector.multi_reduction <add>, %mul3A_686, %reduce_sum3A_687 [1] : vector<128x2048xf32> to vector<128xf32>
      %broadcast_in_dim3A_689 = vector.shape_cast %reduce_sum3A_688 : vector<128xf32> to vector<128x1xf32>
      %div3A_690 = arith.constant 2.048000e+03 : f32
      %div3A_691 = vector.broadcast %div3A_690 : f32 to vector<128x1xf32>
      %div3A_692 = arith.divf %broadcast_in_dim3A_689, %div3A_691 : vector<128x1xf32>
      %sub3A_693 = vector.broadcast %div3A_692 : vector<128x1xf32> to vector<128x2048xf32>
      %sub3A_694 = arith.subf %mul3A_686, %sub3A_693 : vector<128x2048xf32>
      %integer_pow3A_695 = arith.mulf %sub3A_694, %sub3A_694 : vector<128x2048xf32>
      %reduce_sum3A_696 = arith.constant dense<0.000000e+00> : vector<128xf32>
      %reduce_sum3A_697 = vector.multi_reduction <add>, %integer_pow3A_695, %reduce_sum3A_696 [1] : vector<128x2048xf32> to vector<128xf32>
      %broadcast_in_dim3A_698 = vector.shape_cast %reduce_sum3A_697 : vector<128xf32> to vector<128x1xf32>
      %div3A_699 = arith.constant 2.048000e+03 : f32
      %div3A_700 = vector.broadcast %div3A_699 : f32 to vector<128x1xf32>
      %div3A_701 = arith.divf %broadcast_in_dim3A_698, %div3A_700 : vector<128x1xf32>
      %sub3A_702 = vector.broadcast %div3A_692 : vector<128x1xf32> to vector<128x2048xf32>
      %sub3A_703 = arith.subf %mul3A_686, %sub3A_702 : vector<128x2048xf32>
      %add3A_704 = arith.constant 9.99999974E-6 : f32
      %add3A_705 = vector.broadcast %add3A_704 : f32 to vector<128x1xf32>
      %add3A_706 = arith.addf %div3A_701, %add3A_705 : vector<128x1xf32>
      %rsqrt3A_707 = math.rsqrt %add3A_706 : vector<128x1xf32>
      %mul3A_708 = vector.broadcast %rsqrt3A_707 : vector<128x1xf32> to vector<128x2048xf32>
      %mul3A_709 = arith.mulf %sub3A_703, %mul3A_708 : vector<128x2048xf32>
      %mul3A_710 = vector.broadcast %get3A_46 : vector<1x2048xf32> to vector<128x2048xf32>
      %mul3A_711 = arith.mulf %mul3A_709, %mul3A_710 : vector<128x2048xf32>
      %add3A_712 = vector.broadcast %get3A_51 : vector<1x2048xf32> to vector<128x2048xf32>
      %add3A_713 = arith.addf %mul3A_711, %add3A_712 : vector<128x2048xf32>
      %convert_element_type3A_714 = arith.truncf %add3A_674 : vector<128x2048xf32> to vector<128x2048xbf16>
      %dot_general3A_715 = arith.constant dense<0.000000e+00> : vector<128x2048xf32>
      %dot_general3A_716 = tpu.matmul %convert_element_type3A_714, %get3A_61, %dot_general3A_715 {dimension_numbers = #tpu.dot_dimension_numbers<[1], [0], [0], [1], [0, 0, 1, 1], [], []>, transpose_lhs_hint = false} : vector<128x2048xbf16>, vector<2048x2048xbf16>, vector<128x2048xf32> -> vector<128x2048xf32>
      %add3A_717 = vector.broadcast %get3A_41 : vector<1x2048xf32> to vector<128x2048xf32>
      %add3A_718 = arith.addf %dot_general3A_716, %add3A_717 : vector<128x2048xf32>
      %logistic3A_719 = arith.negf %add3A_718 : vector<128x2048xf32>
      %logistic3A_720 = math.exp %logistic3A_719 : vector<128x2048xf32>
      %logistic3A_721 = arith.constant 1.000000e+00 : f32
      %logistic3A_722 = vector.broadcast %logistic3A_721 : f32 to vector<128x2048xf32>
      %logistic3A_723 = arith.addf %logistic3A_722, %logistic3A_720 : vector<128x2048xf32>
      %logistic3A_724 = arith.divf %logistic3A_722, %logistic3A_723 : vector<128x2048xf32>
      %mul3A_725 = arith.mulf %add3A_718, %logistic3A_724 : vector<128x2048xf32>
      %reduce_sum3A_726 = arith.constant dense<0.000000e+00> : vector<128xf32>
      %reduce_sum3A_727 = vector.multi_reduction <add>, %mul3A_725, %reduce_sum3A_726 [1] : vector<128x2048xf32> to vector<128xf32>
      %broadcast_in_dim3A_728 = vector.shape_cast %reduce_sum3A_727 : vector<128xf32> to vector<128x1xf32>
      %div3A_729 = arith.constant 2.048000e+03 : f32
      %div3A_730 = vector.broadcast %div3A_729 : f32 to vector<128x1xf32>
      %div3A_731 = arith.divf %broadcast_in_dim3A_728, %div3A_730 : vector<128x1xf32>
      %sub3A_732 = vector.broadcast %div3A_731 : vector<128x1xf32> to vector<128x2048xf32>
      %sub3A_733 = arith.subf %mul3A_725, %sub3A_732 : vector<128x2048xf32>
      %integer_pow3A_734 = arith.mulf %sub3A_733, %sub3A_733 : vector<128x2048xf32>
      %reduce_sum3A_735 = arith.constant dense<0.000000e+00> : vector<128xf32>
      %reduce_sum3A_736 = vector.multi_reduction <add>, %integer_pow3A_734, %reduce_sum3A_735 [1] : vector<128x2048xf32> to vector<128xf32>
      %broadcast_in_dim3A_737 = vector.shape_cast %reduce_sum3A_736 : vector<128xf32> to vector<128x1xf32>
      %div3A_738 = arith.constant 2.048000e+03 : f32
      %div3A_739 = vector.broadcast %div3A_738 : f32 to vector<128x1xf32>
      %div3A_740 = arith.divf %broadcast_in_dim3A_737, %div3A_739 : vector<128x1xf32>
      %sub3A_741 = vector.broadcast %div3A_731 : vector<128x1xf32> to vector<128x2048xf32>
      %sub3A_742 = arith.subf %mul3A_725, %sub3A_741 : vector<128x2048xf32>
      %add3A_743 = arith.constant 9.99999974E-6 : f32
      %add3A_744 = vector.broadcast %add3A_743 : f32 to vector<128x1xf32>
      %add3A_745 = arith.addf %div3A_740, %add3A_744 : vector<128x1xf32>
      %rsqrt3A_746 = math.rsqrt %add3A_745 : vector<128x1xf32>
      %mul3A_747 = vector.broadcast %rsqrt3A_746 : vector<128x1xf32> to vector<128x2048xf32>
      %mul3A_748 = arith.mulf %sub3A_742, %mul3A_747 : vector<128x2048xf32>
      %mul3A_749 = vector.broadcast %get3A_46 : vector<1x2048xf32> to vector<128x2048xf32>
      %mul3A_750 = arith.mulf %mul3A_748, %mul3A_749 : vector<128x2048xf32>
      %add3A_751 = vector.broadcast %get3A_51 : vector<1x2048xf32> to vector<128x2048xf32>
      %add3A_752 = arith.addf %mul3A_750, %add3A_751 : vector<128x2048xf32>
      %convert_element_type3A_753 = arith.truncf %add3A_713 : vector<128x2048xf32> to vector<128x2048xbf16>
      %dot_general3A_754 = arith.constant dense<0.000000e+00> : vector<128x1024xf32>
      %dot_general3A_755 = tpu.matmul %convert_element_type3A_753, %get3A_66, %dot_general3A_754 {dimension_numbers = #tpu.dot_dimension_numbers<[1], [0], [0], [1], [0, 0, 1, 1], [], []>, transpose_lhs_hint = false} : vector<128x2048xbf16>, vector<2048x1024xbf16>, vector<128x1024xf32> -> vector<128x1024xf32>
      %add3A_756 = vector.broadcast %get3A_56 : vector<1x1024xf32> to vector<128x1024xf32>
      %add3A_757 = arith.addf %dot_general3A_755, %add3A_756 : vector<128x1024xf32>
      %mul3A_758 = arith.constant 2.500000e-01 : f32
      %mul3A_759 = vector.broadcast %mul3A_758 : f32 to vector<128x1024xf32>
      %mul3A_760 = arith.mulf %add3A_757, %mul3A_759 : vector<128x1024xf32>
      %add3A_761 = arith.addf %add3A_585, %mul3A_760 : vector<128x1024xf32>
      %convert_element_type3A_762 = arith.truncf %add3A_752 : vector<128x2048xf32> to vector<128x2048xbf16>
      %dot_general3A_763 = arith.constant dense<0.000000e+00> : vector<128x1024xf32>
      %dot_general3A_764 = tpu.matmul %convert_element_type3A_762, %get3A_66, %dot_general3A_763 {dimension_numbers = #tpu.dot_dimension_numbers<[1], [0], [0], [1], [0, 0, 1, 1], [], []>, transpose_lhs_hint = false} : vector<128x2048xbf16>, vector<2048x1024xbf16>, vector<128x1024xf32> -> vector<128x1024xf32>
      %add3A_765 = vector.broadcast %get3A_56 : vector<1x1024xf32> to vector<128x1024xf32>
      %add3A_766 = arith.addf %dot_general3A_764, %add3A_765 : vector<128x1024xf32>
      %mul3A_767 = arith.constant 2.500000e-01 : f32
      %mul3A_768 = vector.broadcast %mul3A_767 : f32 to vector<128x1024xf32>
      %mul3A_769 = arith.mulf %add3A_766, %mul3A_768 : vector<128x1024xf32>
      %add3A_770 = arith.addf %add3A_594, %mul3A_769 : vector<128x1024xf32>
      %concatenate3A = tpu.concatenate %add3A_761, %add3A_770 in 0 : vector<128x1024xf32>, vector<128x1024xf32> -> vector<256x1024xf32>
      %iota3A_771 = tpu.iota {dimensions = array<i32: 0>} : vector<2048x256xi32>
      %eq3A_772 = vector.broadcast %get3A_7 : vector<1x256xi32> to vector<2048x256xi32>
      %eq3A_773 = arith.cmpi eq, %iota3A_771, %eq3A_772 : vector<2048x256xi32>
      %get3A_774 = arith.constant 0 : index
      %get3A_775 = arith.constant 0 : index
      %get3A_776 = arith.constant 0 : index
      %get3A_777 = vector.load %arg4[%get3A_774, %get3A_775, %get3A_776] : memref<1x1x256xf32, #tpu.memory_space<vmem>>, vector<1x1x256xf32>
      %get3A_778 = vector.shape_cast %get3A_777 : vector<1x1x256xf32> to vector<1x256xf32>
      %jit3A = arith.constant 0.000000e+00 : f32
      %broadcast_in_dim3A_779 = vector.shape_cast %get3A_778 : vector<1x256xf32> to vector<1x256xf32>
      %broadcast_in_dim3A_780 = vector.broadcast %broadcast_in_dim3A_779 : vector<1x256xf32> to vector<2048x256xf32>
      %broadcast_in_dim3A_781 = vector.broadcast %jit3A : f32 to vector<2048x256xf32>
      %select_n3A = arith.select %eq3A_773, %broadcast_in_dim3A_780, %broadcast_in_dim3A_781 : vector<2048x256xi1>, vector<2048x256xf32>
      %convert_element_type3A_782 = arith.truncf %select_n3A : vector<2048x256xf32> to vector<2048x256xbf16>
      %convert_element_type3A_783 = arith.truncf %concatenate3A : vector<256x1024xf32> to vector<256x1024xbf16>
      %dot_general3A_784 = arith.constant dense<0.000000e+00> : vector<2048x1024xf32>
      %dot_general3A_785 = tpu.matmul %convert_element_type3A_782, %convert_element_type3A_783, %dot_general3A_784 {dimension_numbers = #tpu.dot_dimension_numbers<[1], [0], [0], [1], [0, 0, 1, 1], [], []>, transpose_lhs_hint = false} : vector<2048x256xbf16>, vector<256x1024xbf16>, vector<2048x1024xf32> -> vector<2048x1024xf32>
      %eq3A_786 = arith.constant 0 : i32
      %eq3A_787 = arith.cmpi eq, %arg0, %eq3A_786 : i32
      %convert_element_type3A_788 = arith.extui %eq3A_787 : i1 to i32
      %cond3A_789 = arith.constant 0 : i32
      %cond3A_790 = arith.cmpi ne, %convert_element_type3A_788, %cond3A_789 : i32
      scf.if %cond3A_790 {
        %swap3A = arith.constant 0 : index
        %swap3A_795 = arith.constant 0 : index
        %swap3A_796 = vector.load %arg17[%swap3A, %swap3A_795] : memref<2048x1024xf32, #tpu.memory_space<vmem>>, vector<2048x1024xf32>
        tpu.vector_store %arg17[%swap3A, %swap3A_795], %dot_general3A_785 {strides = array<i32>} : memref<2048x1024xf32, #tpu.memory_space<vmem>>, vector<2048x1024xf32>,
      } else {
      }
      %gt3A = arith.constant 0 : i32
      %gt3A_791 = arith.cmpi sgt, %arg0, %gt3A : i32
      %convert_element_type3A_792 = arith.extui %gt3A_791 : i1 to i32
      %cond3A_793 = arith.constant 0 : i32
      %cond3A_794 = arith.cmpi ne, %convert_element_type3A_792, %cond3A_793 : i32
      scf.if %cond3A_794 {
        %get3A_795 = arith.constant 0 : index
        %get3A_796 = arith.constant 0 : index
        %get3A_797 = vector.load %arg17[%get3A_795, %get3A_796] : memref<2048x1024xf32, #tpu.memory_space<vmem>>, vector<2048x1024xf32>
        %add3A_798 = arith.addf %get3A_797, %dot_general3A_785 : vector<2048x1024xf32>
        %swap3A = arith.constant 0 : index
        %swap3A_799 = arith.constant 0 : index
        %swap3A_800 = vector.load %arg17[%swap3A, %swap3A_799] : memref<2048x1024xf32, #tpu.memory_space<vmem>>, vector<2048x1024xf32>
        tpu.vector_store %arg17[%swap3A, %swap3A_799], %add3A_798 {strides = array<i32>} : memref<2048x1024xf32, #tpu.memory_space<vmem>>, vector<2048x1024xf32>,
      } else {
      }
    } else {
    }
    return
  }
  func.func @transform_0(%arg0: i32, %arg1: memref<23xi32, #tpu.memory_space<smem>>, %arg2: memref<23xi32, #tpu.memory_space<smem>>) -> (i32, i32, i32) {
    %c0_i32 = arith.constant 0 : i32
    %c0_i32_0 = arith.constant 0 : i32
    %c0_i32_1 = arith.constant 0 : i32
    return %arg0, %c0_i32, %c0_i32_0 : i32, i32, i32
  }
  func.func @transform_1(%arg0: i32, %arg1: memref<23xi32, #tpu.memory_space<smem>>, %arg2: memref<23xi32, #tpu.memory_space<smem>>) -> (i32, i32, i32) {
    %c0_i32 = arith.constant 0 : i32
    %c0_i32_0 = arith.constant 0 : i32
    %c0_i32_1 = arith.constant 0 : i32
    return %arg0, %c0_i32, %c0_i32_0 : i32, i32, i32
  }
  func.func @transform_2(%arg0: i32, %arg1: memref<23xi32, #tpu.memory_space<smem>>, %arg2: memref<23xi32, #tpu.memory_space<smem>>) -> (i32, i32) {
    %c0_i32 = arith.constant 0 : i32
    %c0_i32_0 = arith.constant 0 : i32
    %c0_i32_1 = arith.constant 0 : i32
    return %c0_i32, %c0_i32_0 : i32, i32
  }
  func.func @transform_3(%arg0: i32, %arg1: memref<23xi32, #tpu.memory_space<smem>>, %arg2: memref<23xi32, #tpu.memory_space<smem>>) -> (i32, i32) {
    %c0_i32 = arith.constant 0 : i32
    %c0_i32_0 = arith.constant 0 : i32
    %c0_i32_1 = arith.constant 0 : i32
    return %c0_i32, %c0_i32_0 : i32, i32
  }
  func.func @transform_4(%arg0: i32, %arg1: memref<23xi32, #tpu.memory_space<smem>>, %arg2: memref<23xi32, #tpu.memory_space<smem>>) -> (i32, i32, i32) {
    %get3A = arith.index_cast %arg0 : i32 to index
    %get3A_0 = memref.load %arg1[%get3A] : memref<23xi32, #tpu.memory_space<smem>>
    %c0_i32 = arith.constant 0 : i32
    %c0_i32_1 = arith.constant 0 : i32
    %c0_i32_2 = arith.constant 0 : i32
    return %get3A_0, %c0_i32, %c0_i32_1 : i32, i32, i32
  }
  func.func @transform_5(%arg0: i32, %arg1: memref<23xi32, #tpu.memory_space<smem>>, %arg2: memref<23xi32, #tpu.memory_space<smem>>) -> (i32, i32, i32) {
    %get3A = arith.index_cast %arg0 : i32 to index
    %get3A_0 = memref.load %arg1[%get3A] : memref<23xi32, #tpu.memory_space<smem>>
    %c0_i32 = arith.constant 0 : i32
    %c0_i32_1 = arith.constant 0 : i32
    %c0_i32_2 = arith.constant 0 : i32
    return %get3A_0, %c0_i32, %c0_i32_1 : i32, i32, i32
  }
  func.func @transform_6(%arg0: i32, %arg1: memref<23xi32, #tpu.memory_space<smem>>, %arg2: memref<23xi32, #tpu.memory_space<smem>>) -> (i32, i32, i32) {
    %get3A = arith.index_cast %arg0 : i32 to index
    %get3A_0 = memref.load %arg1[%get3A] : memref<23xi32, #tpu.memory_space<smem>>
    %c0_i32 = arith.constant 0 : i32
    %c0_i32_1 = arith.constant 0 : i32
    %c0_i32_2 = arith.constant 0 : i32
    return %get3A_0, %c0_i32, %c0_i32_1 : i32, i32, i32
  }
  func.func @transform_7(%arg0: i32, %arg1: memref<23xi32, #tpu.memory_space<smem>>, %arg2: memref<23xi32, #tpu.memory_space<smem>>) -> (i32, i32, i32) {
    %get3A = arith.index_cast %arg0 : i32 to index
    %get3A_0 = memref.load %arg1[%get3A] : memref<23xi32, #tpu.memory_space<smem>>
    %c0_i32 = arith.constant 0 : i32
    %c0_i32_1 = arith.constant 0 : i32
    %c0_i32_2 = arith.constant 0 : i32
    return %get3A_0, %c0_i32, %c0_i32_1 : i32, i32, i32
  }
  func.func @transform_8(%arg0: i32, %arg1: memref<23xi32, #tpu.memory_space<smem>>, %arg2: memref<23xi32, #tpu.memory_space<smem>>) -> (i32, i32, i32) {
    %get3A = arith.index_cast %arg0 : i32 to index
    %get3A_0 = memref.load %arg1[%get3A] : memref<23xi32, #tpu.memory_space<smem>>
    %c0_i32 = arith.constant 0 : i32
    %c0_i32_1 = arith.constant 0 : i32
    %c0_i32_2 = arith.constant 0 : i32
    return %get3A_0, %c0_i32, %c0_i32_1 : i32, i32, i32
  }
  func.func @transform_9(%arg0: i32, %arg1: memref<23xi32, #tpu.memory_space<smem>>, %arg2: memref<23xi32, #tpu.memory_space<smem>>) -> (i32, i32, i32) {
    %get3A = arith.index_cast %arg0 : i32 to index
    %get3A_0 = memref.load %arg1[%get3A] : memref<23xi32, #tpu.memory_space<smem>>
    %c0_i32 = arith.constant 0 : i32
    %c0_i32_1 = arith.constant 0 : i32
    %c0_i32_2 = arith.constant 0 : i32
    return %get3A_0, %c0_i32, %c0_i32_1 : i32, i32, i32
  }
  func.func @transform_10(%arg0: i32, %arg1: memref<23xi32, #tpu.memory_space<smem>>, %arg2: memref<23xi32, #tpu.memory_space<smem>>) -> (i32, i32, i32) {
    %get3A = arith.index_cast %arg0 : i32 to index
    %get3A_0 = memref.load %arg1[%get3A] : memref<23xi32, #tpu.memory_space<smem>>
    %c0_i32 = arith.constant 0 : i32
    %c0_i32_1 = arith.constant 0 : i32
    %c0_i32_2 = arith.constant 0 : i32
    return %get3A_0, %c0_i32, %c0_i32_1 : i32, i32, i32
  }
  func.func @transform_11(%arg0: i32, %arg1: memref<23xi32, #tpu.memory_space<smem>>, %arg2: memref<23xi32, #tpu.memory_space<smem>>) -> (i32, i32, i32) {
    %get3A = arith.index_cast %arg0 : i32 to index
    %get3A_0 = memref.load %arg1[%get3A] : memref<23xi32, #tpu.memory_space<smem>>
    %c0_i32 = arith.constant 0 : i32
    %c0_i32_1 = arith.constant 0 : i32
    %c0_i32_2 = arith.constant 0 : i32
    return %get3A_0, %c0_i32, %c0_i32_1 : i32, i32, i32
  }
  func.func @transform_12(%arg0: i32, %arg1: memref<23xi32, #tpu.memory_space<smem>>, %arg2: memref<23xi32, #tpu.memory_space<smem>>) -> (i32, i32, i32) {
    %get3A = arith.index_cast %arg0 : i32 to index
    %get3A_0 = memref.load %arg1[%get3A] : memref<23xi32, #tpu.memory_space<smem>>
    %c0_i32 = arith.constant 0 : i32
    %c0_i32_1 = arith.constant 0 : i32
    %c0_i32_2 = arith.constant 0 : i32
    return %get3A_0, %c0_i32, %c0_i32_1 : i32, i32, i32
  }
  func.func @transform_13(%arg0: i32, %arg1: memref<23xi32, #tpu.memory_space<smem>>, %arg2: memref<23xi32, #tpu.memory_space<smem>>) -> (i32, i32, i32) {
    %get3A = arith.index_cast %arg0 : i32 to index
    %get3A_0 = memref.load %arg1[%get3A] : memref<23xi32, #tpu.memory_space<smem>>
    %c0_i32 = arith.constant 0 : i32
    %c0_i32_1 = arith.constant 0 : i32
    %c0_i32_2 = arith.constant 0 : i32
    return %get3A_0, %c0_i32, %c0_i32_1 : i32, i32, i32
  }
  func.func @transform_14(%arg0: i32, %arg1: memref<23xi32, #tpu.memory_space<smem>>, %arg2: memref<23xi32, #tpu.memory_space<smem>>) -> (i32, i32) {
    %c0_i32 = arith.constant 0 : i32
    %c0_i32_0 = arith.constant 0 : i32
    %c0_i32_1 = arith.constant 0 : i32
    return %c0_i32, %c0_i32_0 : i32, i32
  }
}

</mosaic_0001>

<sc_bundles>
// kernel: gather_offload_async_start
scs
__scs_entry_jumppad:
0x0: {  	(pc) =	sbr.rel $0x88, $3  }
0x1: {  	(tag) =	ssettag $0x0;
	lr =	simm.s32 $0x1  }
0x2: {  	[smem:$0x3F95] =	sst lr;
	_ =	strace $0xD0000000  }
0x3: {  	_ = 	snop  }
0x4: {  	_ = 	snop  }
0x5: {  	_ = 	snop  }
0x6: {  	_ = 	snop  }
0x7: {  	_ = 	snop  }
__scs_overlays_trampoline_lowered:
0x8: {  	[smem:$0x3FA4] =	sst s0  }
0x9: {  	[smem:$0x3FA5] =	sst s1  }
0xa: {  	[smem:$0x3FA6] =	sst s2  }
0xb: {  	[smem:$0x3FA7] =	sst s3  }
0xc: {  	[smem:$0x3FA8] =	sst s4  }
0xd: {  	[smem:$0x3FA9] =	sst s5  }
0xe: {  	[smem:$0x3FAA] =	sst s6  }
0xf: {  	[smem:$0x3FAB] =	sst s7  }
0x10: {  	[smem:$0x3FAC] =	sst s8  }
0x11: {  	[smem:$0x3FAD] =	sst s9;
	s0 =	simm.s32 @!p0 $0x0  }
0x12: {  	s1 =	sld [smem:$0x3F93];
	s0 =	simm.s32 @p0 $0x1  }
0x13: {  	[smem:$0x3FAE] =	sst s0;
	s0 =	simm.s32 @!p1 $0x0  }
0x14: {  	s2 =	sld [smem:$0x3F92];
	s0 =	simm.s32 @p1 $0x1  }
0x15: {  	[smem:$0x3FAF] =	sst s0;
	s0 =	simm.s32 @!p2 $0x0  }
0x16: {  	s3 =	sld [smem:$0x3FDB];
	s0 =	simm.s32 @p2 $0x1  }
0x17: {  	s4 =	simm.s32 $0x1BF5;
	[smem:$0x3FB1] =	sst s0  }
0x18: {  	s0 =	sld [smem:$0x3F94];
	_ =	swait.ge [sflag:s4], $0x0  }
0x19: {  	s7 =	sld [smem:$0x3F95]  }
0x1a: {  	s8 =	sadd.s32 $0xFFFFE003, lr  }
0x1b: {  	s9 =	sadd.s32 $0xFFFFFEF7, lr;
	s5 =	simm.s32 $0xFFFFFFFF;
	p2 =	slt.u32 s8, $0xFFFFF086  }
0x1c: {  	p1 =	slt.u32 s9, $0xF7A;
	s5 =	simm.s32 @!p2 $0x0  }
0x1d: {  	s5 =	simm.s32 @p1 $0x1;
	p0 =	seq.s32 s7, s2  }
0x1e: {  	s7 =	smul.u32 @!p0 $0xF7A, s2;
	p2 =	seq.s32 @!p0 s5, $0x0  }
0x1f: {  	s9 =	smul.u32 $0xF7A, s1;
	s8 =	simm.s32 @!p0 $0x1BF5;
	p2 =	por !p2, p0  }
0x20: {  	[sflag:s8] =	ssyncset.s32 @!p0 $0xFFFFF086;
	s6 =	sadd.s32 @!p0 s3, s7;
	s7 =	simm.s32 @!p0 $0x108  }
0x21: {  	s3 =	sadd.s32 s3, s9;
	s6 =	sadd.s32 @!p0 $0x88, s6;
	s7 =	simm.s32 @p2 $0x1082  }
0x22: {  	[simem:s7], [sflag:s8] =	dma.local @!p0 [hbm:s6], $0xF7A  }
0x23: {  	s9 =	sor.u32 $0xD0000000, s2;
	s6 =	simm.s32 $0x108;
	_ =	swait.ge @!p0 [sflag:s8], $0x0  }
0x24: {  	s3 =	sadd.s32 $0x88, s3;
	s6 =	simm.s32 @!p1 $0x1082;
	[sflag:s4] =	ssyncset.s32 $0xFFFFF086  }
0x25: {  	[simem:s6], [sflag:s4] =	dma.local [hbm:s3], $0xF7A  }
0x26: {  	[smem:$0x3F95] =	sst s1;
	(tag) =	ssettag s2;
	_ =	strace s9  }
0x27: {  	s1 =	sld [smem:$0x3FA5]  }
0x28: {  	s2 =	sld [smem:$0x3FA6]  }
0x29: {  	s4 =	sld [smem:$0x3FA8]  }
0x2a: {  	p0 =	seq.s32 s5, $0x0;
	s5 =	sld [smem:$0x3FA9]  }
0x2b: {  	s6 =	sld [smem:$0x3FAA]  }
0x2c: {  	s7 =	sld [smem:$0x3FAB]  }
0x2d: {  	s3 =	simm.s32 $0x108;
	s8 =	sld [smem:$0x3FAC]  }
0x2e: {  	s3 =	simm.s32 @!p0 $0x1082;
	s9 =	sld [smem:$0x3FAD]  }
0x2f: {  	lr =	sadd.s32 s0, s3;
	s0 =	sld [smem:$0x3FA4]  }
0x30: {  	s3 =	sld [smem:$0x3FA7]  }
0x31: {  	[smem:$0x3FB0] =	sst s10  }
0x32: {  	s10 =	sld [smem:$0x3FAE];
	_ =	sdelay $0x3  }
0x33: {  	p0 =	seq.s32 s10, $0x1;
	s10 =	sld [smem:$0x3FB0];
	_ =	sdelay $0x3  }
0x34: {  	[smem:$0x3FB0] =	sst s10  }
0x35: {  	s10 =	sld [smem:$0x3FAF];
	_ =	sdelay $0x3  }
0x36: {  	p1 =	seq.s32 s10, $0x1;
	s10 =	sld [smem:$0x3FB0];
	_ =	sdelay $0x3  }
0x37: {  	[smem:$0x3FB0] =	sst s10  }
0x38: {  	s10 =	sld [smem:$0x3FB1]  }
0x39: {  	_ = 	snop;
	(pc) =	sbr.ind lr, $3  }
0x3a: {  	_ = 	snop  }
0x3b: {  	_ = 	snop  }
0x3c: {  	p2 =	seq.s32 s10, $0x1;
	s10 =	sld [smem:$0x3FB0]  }
0x3d: {  	_ =	shalt  }
0x3e: {  	_ =	shalt  }
0x3f: {  	_ =	shalt  }
0x40: {  	_ =	shalt  }
0x41: {  	_ =	shalt  }
0x42: {  	_ =	shalt  }
0x43: {  	_ =	shalt  }
0x44: {  	_ =	shalt  }
0x45: {  	_ =	shalt  }
0x46: {  	_ =	shalt  }
0x47: {  	_ =	shalt  }
0x48: {  	_ =	shalt  }
0x49: {  	_ =	shalt  }
0x4a: {  	_ =	shalt  }
0x4b: {  	_ =	shalt  }
0x4c: {  	_ =	shalt  }
0x4d: {  	_ =	shalt  }
0x4e: {  	_ =	shalt  }
0x4f: {  	_ =	shalt  }
0x50: {  	_ =	shalt  }
0x51: {  	_ =	shalt  }
0x52: {  	_ =	shalt  }
0x53: {  	_ =	shalt  }
0x54: {  	_ =	shalt  }
0x55: {  	_ =	shalt  }
0x56: {  	_ =	shalt  }
0x57: {  	_ =	shalt  }
0x58: {  	_ =	shalt  }
0x59: {  	_ =	shalt  }
0x5a: {  	_ =	shalt  }
0x5b: {  	_ =	shalt  }
0x5c: {  	_ =	shalt  }
0x5d: {  	_ =	shalt  }
0x5e: {  	_ =	shalt  }
0x5f: {  	_ =	shalt  }
0x60: {  	_ =	shalt  }
0x61: {  	_ =	shalt  }
0x62: {  	_ =	shalt  }
0x63: {  	_ =	shalt  }
0x64: {  	_ =	shalt  }
0x65: {  	_ =	shalt  }
0x66: {  	_ =	shalt  }
0x67: {  	_ =	shalt  }
0x68: {  	_ =	shalt  }
0x69: {  	_ =	shalt  }
0x6a: {  	_ =	shalt  }
0x6b: {  	_ =	shalt  }
0x6c: {  	_ =	shalt  }
0x6d: {  	_ =	shalt  }
0x6e: {  	_ =	shalt  }
0x6f: {  	_ =	shalt  }
0x70: {  	_ =	shalt  }
0x71: {  	_ =	shalt  }
0x72: {  	_ =	shalt  }
0x73: {  	_ =	shalt  }
0x74: {  	_ =	shalt  }
0x75: {  	_ =	shalt  }
0x76: {  	_ =	shalt  }
0x77: {  	_ =	shalt  }
0x78: {  	_ =	shalt  }
0x79: {  	_ =	shalt  }
0x7a: {  	_ =	shalt  }
0x7b: {  	_ =	shalt  }
0x7c: {  	_ =	shalt  }
0x7d: {  	_ =	shalt  }
0x7e: {  	_ =	shalt  }
0x7f: {  	_ =	shalt  }
0x80: {  	_ =	shalt  }
0x81: {  	_ =	shalt  }
0x82: {  	_ =	shalt  }
0x83: {  	_ =	shalt  }
0x84: {  	_ =	shalt  }
0x85: {  	_ =	shalt  }
0x86: {  	_ =	shalt  }
0x87: {  	_ =	shalt  }
.Lfunc_end0:
.L_simem_size_0:
called_computation_lowered:
.L_overlay_start_0:
0x88: {  	s2 =	sld [smem:$0x3FD9]  }
0x89: {  	s3 =	sld [smem:$0x3FFE];
	_ =	sdelay $0x1  }
0x8a: {  	s1 =	srdreg.scid  }
0x8b: {  	s0 =	sand.u32 $0x1, s1  }
0x8c: {  	s17 =	sshll.u32 s0, $0xA;
	s2 =	sadd.s32 s3, s2  }
0x8d: {  	s2 =	sadd.s32 s2, s17  }
0x8e: {  	[smem:$0x3FBC] =	sst s2  }
0x8f: {  	_ = 	snop  }
0x90: {  	s2 =	sld [smem:$0x3FD0];
	(tm) =	ssettm $0x1  }
0x91: {  	s18 =	sld [smem:$0x3FFB];
	_ =	sdelay $0x3  }
0x92: {  	_ =	strace s18  }
0x93: {  	s3 =	sld [smem:$0x3FFC];
	_ =	sdelay $0x3  }
0x94: {  	_ =	strace s3  }
0x95: {  	s3 =	sld [smem:$0x3FFD];
	_ =	sdelay $0x3  }
0x96: {  	_ =	strace s3  }
0x97: {  	_ =	strace $0x8FFFFFFF  }
0x98: {  	s19 =	sld [smem:$0x3FDB];
	_ =	sdelay $0x1  }
0x99: {  	s4 =	simm.s32 $_scs_section_size  }
0x9a: {  	s5 =	simm.s32 $_size__tile_overlayer_lowered;
	s6 =	simm.s32 $_tile_overlayer_lowered  }
0x9b: {  	s22 =	simm.s32 $0x1BFF;
	s21 =	sshll.u32 s6, $0x1;
	s3 =	sadd.s32 s4, s19  }
0x9c: {  	s7 =	simm.s32 $0x0;
	s20 =	sshll.u32 s5, $0x1;
	s5 =	sadd.s32 s21, s3  }
0x9d: {  	[timem:s7], [sflag:s22] =	dma.local [hbm:s5], s20  }
0x9e: {  	_ =	swait.ge [sflag:s22], s20  }
0x9f: {  	s4 =	ssub.s32 $0x0, s20;
	[sflag:s22] =	ssyncset.done $0x0  }
0xa0: {  	[sflag:s22] =	ssyncadd.s32 s4;
	_ =	sdelay $0x1  }
0xa1: {  	s23 =	simm.s32 $0x1B8B  }
0xa2: {  	_ =	swait.ge [sflag:s23], $0x1  }
0xa3: {  	[sflag:s23] =	ssyncset.done $0x0  }
0xa4: {  	s25 =	simm.s32 $0x1B8E;
	s24 =	sld [smem:$0x3FFE];
	[sflag:s23] =	ssyncadd.s32 $0xFFFFFFFF  }
0xa5: {  	s26 =	simm.s32 $execute0_lowered;
	[smem:$0x3FD2] =	sst s25  }
0xa6: {  	s5 =	sshll.u32 s26, $0x1;
	_ =	strace $0x80000046;
	[dreg:$0x1] =	wrdreg $0xFFFFFFFF  }
0xa7: {  	s28 =	simm.s32 $_size_execute0_lowered;
	s3 =	sadd.s32 s3, s5;
	[dreg:$0x0] =	wrdreg $0x0  }
0xa8: {  	s5 =	sshll.u32 s28, $0x1;
	[dreg:$0x2] =	wrdreg s3  }
0xa9: {  	[dreg:$0x3] =	wrdreg s5  }
0xaa: {  	[dreg:$0x4] =	wrdreg $0xC0  }
0xab: {  	_ =	task [dreg:s7], $0x5FFFF  }
0xac: {  	[dreg:$0x1] =	wrdreg $0xFFFFFFFF  }
0xad: {  	[dreg:$0x0] =	wrdreg $0x60  }
0xae: {  	[dreg:$0x2] =	wrdreg s2  }
0xaf: {  	[dreg:$0x3] =	wrdreg s24  }
0xb0: {  	[dreg:$0x4] =	wrdreg $0x9  }
0xb1: {  	_ =	task.clear_ibuf [dreg:s7], $0x5FFFF;
	_ =	strace $0x90000046  }
0xb2: {  	s29 =	simm.s32 $0x9;
	_ =	strace $0x80000048  }
0xb3: {  	_ =	swait.ge [sflag:s29], $0x1  }
0xb4: {  	[sflag:s29] =	ssyncadd.s32 $0xFFFFFFFF  }
0xb5: {  	_ =	strace $0x90000048  }
0xb6: {  	_ =	sfence  }
0xb7: {  	s30 =	sld [smem:$0x0];
	_ =	sdelay $0x2  }
0xb8: {  	s31 =	sshll.u32 s1, $0xD;
	s1 =	sshrl.u32 s1, $0x2  }
0xb9: {  	s3 =	sand.u32 $0x4000, s31;
	s1 =	sadd.s32 s1, s30  }
0xba: {  	s0 =	sor.u32 s3, s0;
	s1 =	sshll.u32 s1, $0x11  }
0xbb: {  	s0 =	sor.u32 s1, s0  }
0xbc: {  	s0 =	sadd.s32 $0x8F2B, s0  }
0xbd: {  	[sflag:s0] =	ssyncadd.remote.s32 $0x1  }
0xbe: {  	_ =	sfence.sel $0xFFFF  }
0xbf: {  	[dreg:$0x0] =	wrdreg $0xFFFFFFFF;
	(pc) =	sbr.abs _section_cstart, $3  }
0xc0: {  	[dreg:$0x1] =	wrdreg $0xFFFFFFFF  }
0xc1: {  	_ =	task.clear_ibuf [dreg:s7], $0x2FFFF;
	_ =	strace $0x9FFFFFFF  }
0xc2: {  	(tm) =	ssettm $0x7FFFFFFF  }
0xc3: {  	_ =	shalt  }
tec
execute0_lowered:
.L_overlay_start_1:
0x0: {  	(tag) =	ssettag $0x1  }
0x1: {  	s1 =	srdreg.scid;
	s2 =	rddreg [dreg:$0x0]  }
0x2: {  	s0 =	stileid.u32;
	s5 =	rddreg [dreg:$0x1];
	s6 =	simm.s32 $0x1  }
0x3: {  	s9 =	simm.s32 $0x1;
	s10 =	simm.s32 $0x3;
	s1 =	sshll.u32 s1, $0x6  }
0x4: {  	s13 =	simm.s32 $0x0;
	s3 =	sshll.u32 s0, $0x7;
	s4 =	sand.u32 $0x40, s1  }
0x5: {  	s12 =	simm.s32 $0x0;
	s1 =	rddreg [dreg:$0x2];
	s3 =	sor.u32 s3, s4  }
0x6: {  	_ =	strace $0x80000047;
	s4 =	sadd.s32 $0x23800, s5;
	s8 =	ssub.s32 $0x1000, s3  }
.Ltmp0:
0x7: {  	s5 =	sadd.s32 $0x23E00, s5;
	s7 =	sand.u32 $0x7C0, s8;
	(pc) =	sbr.rel .LBB2_1-.Ltmp0, $4  }
0x8: {  	[sflag:s6] =	ssyncpa.u1 $0x0;
	s11 =	smov.u32 s3;
	p0 =	sne.s32 s7, $0x0  }
0x9: {  	s8 =	sshrl.u32 s8, $0xB;
	s7 =	simm.s32 $0x2;
	s9 =	simm.s32 @!p0 $0x0  }
0xa: {  	[sflag:s7] =	ssyncpa.u1 $0x0;
	p0 =	por $0x0, $0x0;
	s8 =	sadd.s32 s9, s8  }
0xb: {  	vm0 =	vmmov $0xffff;
	[sflag:s10] =	ssyncpa.u1 $0x0;
	s10 =	simm.s32 $0x0;
	s9 =	sadd.s32 $0x1, s8  }
.LBB2_4:
0xc: {  	v5 =	vshrl.u32 v1, $0xC;
	v6 =	vshll.u32 v1, $0x7  }
0xd: {  	vm1 =	veq.s32 v1, $0x80000000;
	v58 =	vand.u32 $0x7, v5;
	v59 =	vand.u32 $0x7FF80, v6  }
0xe: {  	v1 =	vsel vm1, $0xFFFFFFFF, v58;
	v5 =	vsel vm1, $0xFFFFFF80, v59  }
0xf: {  	v3 =	vor.u32 v4, v3;
	v60 =	vand.u32 $0xFFFFFC00, v5;
	v61 =	vand.u32 $0xFFFFFC00, v1  }
0x10: {  	v2 =	vor.u32 v2, v3;
	v63 =	vand.u32 $0x380, v5;
	v62 =	vadd.s32 v61, v60  }
0x11: {  	v1 =	vand.u32 $0x7F, v1;
	v3 =	vor.u32 v63, v62  }
0x12: {  	v1 =	vor.u32 v1, v3  }
0x13: {  	[tilespmem:s15], [sflag:$0x1] =	stream.indirect_vreg.gather [hbm4b:s2+s10], $0x1, v0, vm0, $0x4038;
	[tilespmem:$0x100] =	vst v63  }
0x14: {  	(ifvalue) =	ssetifvalue $0x7FFFFFFF  }
0x15: {  	[tilespmem:s16], [sflag:$0x1] =	stream.indirect_vreg.gather [hbm4b:s2+s10], $0x1, v2, vm0, $0x4038;
	[tilespmem:$0x100] =	vst v63  }
0x16: {  	s29 =	sadd.s32 $0x10, s16;
	(ifvalue) =	ssetifvalue $0x7FFFFFFF  }
0x17: {  	[tilespmem:s29], [sflag:$0x1] =	stream.indirect_vreg.gather [hbm4b:s2+s10], $0x1, v1, vm0, $0x4038;
	[tilespmem:$0x100] =	vst v63  }
0x18: {  	_ =	swait.ge [sflag:s6], $0x40  }
0x19: {  	s30 =	sshrl.u32 s13, $0x3;
	[sflag:s6] =	ssyncset.done $0x0  }
0x1a: {  	s31 =	sand.u32 $0x7, s13;
	s15 =	sadd.s32 s5, s30;
	[sflag:s6] =	ssyncadd.s32 $0xFFFFFFC0  }
0x1b: {  	[hbm4b:s15+s31] =	stream.linear.scatter [tilespmem:s14], [sflag:$0x3], $0x40, $0x38;
	[tilespmem:$0x100] =	vst v63  }
.LBB2_5:
0x1c: {  	s15 =	sadd.s32 $0x800, s11  }
0x1d: {  	p2 =	sgt.s32 s15, $0xFFF  }
0x1e: {  	s15 =	smov.u32 @p2 s3;
	p2 =	sne.s32 s12, s9  }
.Ltmp1:
0x1f: {  	p1 =	slt.u32 s12, $0x2;
	(pc) =	sbr.rel @!p2 .LBB2_6-.Ltmp1, $4  }
0x20: {  	s14 =	simm.s32 @!p1 $0x3  }
0x21: {  	s16 =	sadd.s32 $0x1, s12;
	_ =	swait.ge @!p1 [sflag:s14], $0x40  }
0x22: {  	s13 =	smov.u32 s11;
	p0 =	por !p0, !p0;
	[sflag:s14] =	ssyncset.done @!p1 $0x0  }
0x23: {  	s12 =	smov.u32 s16;
	s11 =	smov.u32 s15;
	[sflag:s14] =	ssyncadd.s32 @!p1 $0xFFFFFFC0  }
.LBB2_1:
0x24: {  	p1 =	sge.u32 s12, s8  }
0x25: {  	s14 =	sxor.u32 @!p1 $0xFFFFFFFF, s12  }
0x26: {  	s31 =	sadd.s32 $0xFFFFFFFF, s12;
	s15 =	sshrl.u32 @!p1 s11, $0x3;
	s14 =	sshll.u32 @!p1 s14, $0x6  }
0x27: {  	s16 =	sand.u32 @!p1 $0x7, s11;
	s15 =	sadd.s32 @!p1 s4, s15;
	s14 =	sand.u32 @!p1 $0x40, s14  }
0x28: {  	[tilespmem:s14], [sflag:$0x2] =	stream.linear.gather @!p1 [hbm4b:s15+s16], $0x40, $0x38;
	[tilespmem:$0x100] =	vst v63  }
0x29: {  	p1 =	sge.u32 s31, s8  }
.Ltmp2:
0x2a: {  	_ = 	snop;
	(pc) =	sbr.rel @p1 .LBB2_5-.Ltmp2, $1  }
0x2b: {  	_ =	sdelay $0x3  }
0x2c: {  	s14 =	simm.s32 $0x1  }
0x2d: {  	_ =	swait.ge [sflag:s7], $0x40;
	s14 =	simm.s32 @!p0 $0x0  }
0x2e: {  	[sflag:s7] =	ssyncset.done $0x0;
	s14 =	sshll.u32 s14, $0x6  }
0x2f: {  	[sflag:s7] =	ssyncadd.s32 $0xFFFFFFC0;
	(ifvalue) =	ssetifvalue $0x7FFFFFFF;
	v0 =	vld.msk [tilespmem:s14+$0x0 ss:$0x1], $0xffff;
	_ =	sdelay $0x4  }
0x30: {  	s15 =	sadd.s32 $0x10, s14;
	v2 =	vshrl.u32 v0, $0xC;
	v3 =	vshll.u32 v0, $0x7  }
0x31: {  	v1 =	vld.msk [tilespmem:s15+$0x0 ss:$0x1], $0xffff;
	vm1 =	veq.s32 v0, $0x80000000;
	v0 =	vand.u32 $0x7, v2;
	v2 =	vand.u32 $0x7FF80, v3  }
0x32: {  	v0 =	vsel vm1, $0xFFFFFFFF, v0;
	v2 =	vsel vm1, $0xFFFFFF80, v2  }
0x33: {  	v3 =	vand.u32 $0xFFFFFC00, v2;
	v4 =	vand.u32 $0xFFFFFC00, v0  }
0x34: {  	v2 =	vand.u32 $0x380, v2;
	v3 =	vadd.s32 v4, v3  }
0x35: {  	v0 =	vand.u32 $0x7F, v0;
	v2 =	vor.u32 v2, v3  }
0x36: {  	v5 =	vshll.u32 v1, $0x7;
	v4 =	vshrl.u32 v1, $0xC;
	v0 =	vor.u32 v0, v2  }
0x37: {  	s16 =	sshll.u32 s12, $0x6;
	vm1 =	veq.s32 v1, $0x80000000;
	v1 =	vand.u32 $0x7, v4;
	v4 =	vand.u32 $0x7FF80, v5  }
0x38: {  	s16 =	sand.u32 $0x40, s16;
	s18 =	sadd.s32 $0x10, s15;
	v3 =	vsel vm1, $0xFFFFFFFF, v1;
	v4 =	vsel vm1, $0xFFFFFF80, v4  }
0x39: {  	s17 =	simm.s32 $0x20;
	s15 =	sor.u32 $0x80, s14;
	s14 =	sor.u32 $0x80, s16;
	v1 =	vld.msk [tilespmem:s18+$0x0 ss:$0x1], $0xffff;
	v5 =	vand.u32 $0xFFFFFC00, v4;
	v6 =	vand.u32 $0xFFFFFC00, v3  }
0x3a: {  	s16 =	sadd.s32 $0x10, s15;
	s18 =	sadd.s32 $0x10, s18;
	(ifvalue) =	ssetifvalue $0x7FFFFFFF;
	v2 =	vand.u32 $0x7F, v3;
	v4 =	vand.u32 $0x380, v4;
	v3 =	vadd.s32 v6, v5  }
.LBB2_3:
0x3b: {  	[tilespmem:s15], [sflag:$0x1] =	stream.indirect_vreg.gather [hbm4b:s2+s10], $0x1, v0, vm0, $0x4038;
	[tilespmem:$0x100] =	vst v63  }
0x3c: {  	s17 =	sadd.s32 $0x10, s17  }
0x3d: {  	v3 =	vor.u32 v4, v3;
	p1 =	slt.u32 s17, $0x30  }
.Ltmp3:
0x3e: {  	v4 =	vshrl.u32 v1, $0xC;
	v5 =	vshll.u32 v1, $0x7;
	s15 =	smov.u32 s16;
	v0 =	vor.u32 v2, v3;
	v2 =	vmovc v1;
	v1 =	vld.msk [tilespmem:s18+$0x0 ss:$0x1], $0xffff;
	(pc) =	sbr.rel @p1 .LBB2_3-.Ltmp3, $4  }
0x3f: {  	v3 =	vand.u32 $0x7FF80, v5;
	vm1 =	veq.s32 v2, $0x80000000;
	v2 =	vand.u32 $0x7, v4  }
0x40: {  	v4 =	vsel vm1, $0xFFFFFFFF, v2;
	v5 =	vsel vm1, $0xFFFFFF80, v3  }
0x41: {  	v2 =	vand.u32 $0x7F, v4;
	v3 =	vand.u32 $0xFFFFFC00, v5;
	v4 =	vand.u32 $0xFFFFFC00, v4  }
0x42: {  	s16 =	sadd.s32 $0x10, s16;
	s18 =	sadd.s32 $0x10, s18;
	v3 =	vadd.s32 v4, v3;
	v4 =	vand.u32 $0x380, v5;
	(ifvalue) =	ssetifvalue $0x7FFFFFFF  }
.Ltmp4:
0x43: {  	_ = 	snop;
	(pc) =	sbr.rel .LBB2_4-.Ltmp4, $1  }
0x44: {  	_ =	sdelay $0x3  }
.LBB2_6:
0x45: {  	_ =	sfence.sel $0x180000  }
0x46: {  	s2 =	simm.s32 $0x2;
	[bflag:$0x0] =	sbarrier.arrive $0xFFFF  }
0x47: {  	s30 =	simm.s32 $0x3;
	[sflag:s2] =	ssyncpa.u1 $0x1  }
0x48: {  	s31 =	simm.s32 $0x1;
	[sflag:s30] =	ssyncpa.u1 $0x1  }
0x49: {  	[sflag:s31] =	ssyncpa.u1 $0x1  }
0x4a: {  	p0 =	sne.s32 s0, $0x0;
	_ =	strace $0x90000047  }
0x4b: {  	s0 =	sadd.s32 @!p0 $0x100000, s1;
	[bflag:$0x2] =	sbarrier.arrive $0xFFFF  }
0x4c: {  	[sflag:s0] =	ssyncadd.tile.s32 @!p0 $0x1;
	_ =	shalt  }
.Lfunc_end2:
_tile_overlayer_lowered:
.L_overlay_start_2:
0x4d: {  	(tag) =	ssettag $0x2  }
0x4e: {  	s0 =	rddreg [dreg:$0x0];
	s2 =	stileid.u32  }
0x4f: {  	s1 =	rddreg [dreg:$0x1];
	p0 =	sne.s32 s2, $0x0  }
0x50: {  	s3 =	rddreg [dreg:$0x2];
	[bflag:$0x3] =	sbarrier.arrive $0xFFFF;
	s2 =	simm.s32 @!p0 $0x1C01  }
0x51: {  	[timem:s3], [sflag:s2] =	dma.local @!p0 [hbm:s0], s1  }
0x52: {  	s0 =	simm.s32 @!p0 $0x1  }
0x53: {  	_ =	swait.ge @!p0 [sflag:s0], s1  }
0x54: {  	s1 =	ssub.s32 @!p0 $0x0, s1;
	[sflag:s0] =	ssyncset.done @!p0 $0x0  }
0x55: {  	[sflag:s0] =	ssyncadd.s32 @!p0 s1  }
0x56: {  	[bflag:$0x3] =	sbarrier.arrive $0xFFFF  }
0x57: {  	_ =	shalt  }

</sc_bundles>
